<compile_context>
chip_gen: v7x
topology: tpu7x:2x2x1
jax: 0.10.2.dev20260603
libtpu: 0.0.44.dev20260713+nightly
codegen_flags: <defaults>
</compile_context>

<pallas_src>
import functools
import jax
import jax.numpy as jnp
from jax import lax
from jax.experimental import pallas as pl
from jax.experimental.pallas import tpu as pltpu, tpu_sc as plsc

_N = 2048
_CHUNK = 512
_BIG = 3.0e38

_TC_BS = 6
_SC_BS = 2
_NSUB = 32
_SPB = _NSUB // _SC_BS
_ROWS = _N // _SPB




def _tc_body(p_ref, g_ref, p2g_ref, g2p_ref):
    pts = p_ref[0]
    g = g_ref[0]
    m = g.shape[1]
    px = pts[:, 0:1]
    py = pts[:, 1:2]
    pz = pts[:, 2:3]
    rowmin = None
    g2p_sum = None
    for k in range(0, m, _CHUNK):
        gx = g[0:1, k:k + _CHUNK]
        gy = g[1:2, k:k + _CHUNK]
        gz = g[2:3, k:k + _CHUNK]
        dx = px - gx
        dy = py - gy
        dz = pz - gz
        d = dx * dx + dy * dy + dz * dz
        rm = jnp.min(d, axis=1, keepdims=True)
        rowmin = rm if rowmin is None else jnp.minimum(rowmin, rm)
        cs = jnp.sum(jnp.min(d, axis=0))
        g2p_sum = cs if g2p_sum is None else g2p_sum + cs
    p2g_ref[0] = jnp.sqrt(jnp.mean(rowmin)).reshape(1, 1)
    g2p_ref[0] = jnp.sqrt(g2p_sum / m).reshape(1, 1)


def _tc_chamfer(points, gts_t):
    bs, n, _ = points.shape
    m = gts_t.shape[2]
    return pl.pallas_call(
        _tc_body,
        grid=(bs,),
        in_specs=[
            pl.BlockSpec((1, n, 3), lambda b: (b, 0, 0)),
            pl.BlockSpec((1, 3, m), lambda b: (b, 0, 0)),
        ],
        out_specs=[
            pl.BlockSpec((1, 1, 1), lambda b: (b, 0, 0)),
            pl.BlockSpec((1, 1, 1), lambda b: (b, 0, 0)),
        ],
        out_shape=[
            jax.ShapeDtypeStruct((bs, 1, 1), jnp.float32),
            jax.ShapeDtypeStruct((bs, 1, 1), jnp.float32),
        ],
    )(points, gts_t)




def _sc_body(pts_hbm, gts_hbm, rowpart_hbm, colpart_hbm,
             px_v, py_v, pz_v, gx_v, gy_v, gz_v, rm_v, cm_v):
    cid = lax.axis_index("c")
    sid = lax.axis_index("s")
    wid = sid * 2 + cid
    b = wid // _SPB
    base = (wid % _SPB) * _ROWS

    pltpu.sync_copy(pts_hbm.at[pl.ds((b * 3 + 0) * _N + base, _ROWS)], px_v)
    pltpu.sync_copy(pts_hbm.at[pl.ds((b * 3 + 1) * _N + base, _ROWS)], py_v)
    pltpu.sync_copy(pts_hbm.at[pl.ds((b * 3 + 2) * _N + base, _ROWS)], pz_v)
    pltpu.sync_copy(gts_hbm.at[pl.ds((b * 3 + 0) * _N, _N)], gx_v)
    pltpu.sync_copy(gts_hbm.at[pl.ds((b * 3 + 1) * _N, _N)], gy_v)
    pltpu.sync_copy(gts_hbm.at[pl.ds((b * 3 + 2) * _N, _N)], gz_v)

    def init_cm(j, carry):
        cm_v[pl.ds(j * 16, 16)] = jnp.full((16,), _BIG, jnp.float32)
        return carry

    lax.fori_loop(0, _N // 16, init_cm, 0)

    def outer(g16, carry):
        i0 = g16 * 16
        pxv = px_v[pl.ds(i0, 16)]
        pyv = py_v[pl.ds(i0, 16)]
        pzv = pz_v[pl.ds(i0, 16)]

        for half in range(2):
            ps = [(pxv[half * 8 + t], pyv[half * 8 + t], pzv[half * 8 + t])
                  for t in range(8)]

            def inner(j, rms, ps=ps):
                sl = pl.ds(j * 16, 16)
                gx = gx_v[sl]
                gy = gy_v[sl]
                gz = gz_v[sl]
                new_rms = []
                cmins = None
                for t in range(8):
                    dx = gx - ps[t][0]
                    dy = gy - ps[t][1]
                    dz = gz - ps[t][2]
                    d = dx * dx + dy * dy + dz * dz
                    new_rms.append(jnp.minimum(rms[t], d))
                    cmins = d if cmins is None else jnp.minimum(cmins, d)
                cm_v[sl] = jnp.minimum(cm_v[sl], cmins)
                return tuple(new_rms)

            big = jnp.full((16,), _BIG, jnp.float32)
            rms = lax.fori_loop(0, _N // 16, inner, (big,) * 8)
            for t in range(8):
                rm_v[pl.ds((i0 + half * 8 + t) * 16, 16)] = rms[t]
        return carry

    lax.fori_loop(0, _ROWS // 16, outer, 0)

    pltpu.sync_copy(rm_v, rowpart_hbm.at[pl.ds(wid * _ROWS * 16, _ROWS * 16)])
    pltpu.sync_copy(cm_v, colpart_hbm.at[pl.ds(wid * _N, _N)])


def _sc_chamfer(pts_flat, gts_flat):
    mesh = plsc.VectorSubcoreMesh(core_axis_name="c", subcore_axis_name="s")
    f = functools.partial(
        pl.kernel,
        mesh=mesh,
        out_type=[
            jax.ShapeDtypeStruct((_NSUB * _ROWS * 16,), jnp.float32),
            jax.ShapeDtypeStruct((_NSUB * _N,), jnp.float32),
        ],
        scratch_types=[
            pltpu.VMEM((_ROWS,), jnp.float32),
            pltpu.VMEM((_ROWS,), jnp.float32),
            pltpu.VMEM((_ROWS,), jnp.float32),
            pltpu.VMEM((_N,), jnp.float32),
            pltpu.VMEM((_N,), jnp.float32),
            pltpu.VMEM((_N,), jnp.float32),
            pltpu.VMEM((_ROWS * 16,), jnp.float32),
            pltpu.VMEM((_N,), jnp.float32),
        ],
    )(_sc_body)
    return f(pts_flat, gts_flat)




def kernel(points, gts):
    bs, n, _ = points.shape
    sc_pts = jnp.transpose(points[_TC_BS:], (0, 2, 1)).reshape(-1)
    sc_gts = jnp.transpose(gts[_TC_BS:], (0, 2, 1)).reshape(-1)
    rowpart, colpart = _sc_chamfer(sc_pts, sc_gts)

    tc_gts_t = jnp.transpose(gts[:_TC_BS], (0, 2, 1))
    p2g_tc, g2p_tc = _tc_chamfer(points[:_TC_BS], tc_gts_t)

    rowmin = jnp.min(rowpart.reshape(_SC_BS, n, 16), axis=2)
    colmin = jnp.min(colpart.reshape(_SC_BS, _SPB, n), axis=1)
    p2g_sc = jnp.sqrt(jnp.mean(rowmin, axis=1))
    g2p_sc = jnp.sqrt(jnp.mean(colmin, axis=1))

    p2g_all = jnp.concatenate([p2g_tc.reshape(-1), p2g_sc])
    g2p_all = jnp.concatenate([g2p_tc.reshape(-1), g2p_sc])
    p2g = jnp.mean(p2g_all)
    g2p = jnp.mean(g2p_all)
    loss = (p2g + g2p) / 2.0
    return (loss, p2g, g2p)

# --- scband reference (transcript-rebuilt; emitter-appended) ---
"""Pipeline reference for scband-chamfer-loss-sqrt-45406394253980 (READ-ONLY COPY).

The authoritative reference and input builder live on the scoring server;
editing this copy changes nothing except your own understanding.
"""

import jax, jax.numpy as jnp
import numpy as np


def setup_inputs(seed: int = 0) -> dict:
    key = jax.random.key(seed)
    k1, k2 = jax.random.split(key)
    points = jax.random.normal(k1, (8, 2048, 3), dtype=jnp.float32)
    gts = jax.random.normal(k2, (8, 2048, 3), dtype=jnp.float32)
    return {"points": points, "gts": gts}


def _chamfer_distance(points, gts):
    # pairwise squared distances: [bs, N, M]
    diff = points[:, :, None, :] - gts[:, None, :, :]
    d = jnp.sum(diff * diff, axis=-1)
    p2g = jnp.min(d, axis=2)  # for each point, nearest gt  -> [bs, N]
    g2p = jnp.min(d, axis=1)  # for each gt, nearest point -> [bs, M]
    return p2g, g2p


def reference(points, gts):
    # batch_forward
    p2g, g2p = _chamfer_distance(points, gts)
    p2g = jnp.mean(p2g, axis=1)
    p2g = jnp.sqrt(p2g)
    g2p = jnp.mean(g2p, axis=1)
    g2p = jnp.sqrt(g2p)
    loss = (p2g + g2p) / 2.0
    # forward: mean over batch for each of [loss, p2g, g2p]
    return (jnp.mean(loss), jnp.mean(p2g), jnp.mean(g2p))

if __name__ == "__main__":
    import jax
    _d = setup_inputs()
    print(jax.jit(kernel)(*tuple(_d.values())))

</pallas_src>

<mosaic_0001>
#map = affine_map<(d0, d1) -> (0)>
module attributes {stable_mosaic.version = 14 : i64} {
  func.func @_sc_body(%arg0: i32, %arg1: i32, %arg2: memref<12288xf32, #tpu.memory_space<hbm>>, %arg3: memref<12288xf32, #tpu.memory_space<hbm>>, %arg4: memref<65536xf32, #tpu.memory_space<hbm>>, %arg5: memref<65536xf32, #tpu.memory_space<hbm>>, %arg6: memref<128xf32, #tpu.memory_space<vmem>>, %arg7: memref<128xf32, #tpu.memory_space<vmem>>, %arg8: memref<128xf32, #tpu.memory_space<vmem>>, %arg9: memref<2048xf32, #tpu.memory_space<vmem>>, %arg10: memref<2048xf32, #tpu.memory_space<vmem>>, %arg11: memref<2048xf32, #tpu.memory_space<vmem>>, %arg12: memref<2048xf32, #tpu.memory_space<vmem>>, %arg13: memref<2048xf32, #tpu.memory_space<vmem>>) attributes {dimension_semantics = [#tpu.dimension_semantics<core_parallel>, #tpu.dimension_semantics<subcore_parallel>], iteration_bounds = array<i64: 2, 16>, scalar_prefetch = 0 : i64, scratch_operands = 8 : i64, tpu.core_type = #tpu.core_type<sc_vector_subcore>, window_params = [{transform_indices = #map}, {transform_indices = #map}, {transform_indices = #map}, {transform_indices = #map}]} {
    %mul3A = arith.constant 2 : i32
    %mul3A_0 = arith.muli %arg1, %mul3A : i32
    %add3A = arith.addi %mul3A_0, %arg0 : i32
    %jit3A = arith.constant 16 : i32
    %div3A = arith.divsi %add3A, %jit3A : i32
    %sign3A = arith.constant 0 : i32
    %sign3A_1 = arith.cmpi sgt, %add3A, %sign3A : i32
    %sign3A_2 = arith.extui %sign3A_1 : i1 to i32
    %sign3A_3 = arith.constant 0 : i32
    %sign3A_4 = arith.cmpi slt, %add3A, %sign3A_3 : i32
    %sign3A_5 = arith.extui %sign3A_4 : i1 to i32
    %sign3A_6 = arith.subi %sign3A_2, %sign3A_5 : i32
    %sign3A_7 = arith.constant 0 : i32
    %sign3A_8 = arith.cmpi sgt, %jit3A, %sign3A_7 : i32
    %sign3A_9 = arith.extui %sign3A_8 : i1 to i32
    %sign3A_10 = arith.constant 0 : i32
    %sign3A_11 = arith.cmpi slt, %jit3A, %sign3A_10 : i32
    %sign3A_12 = arith.extui %sign3A_11 : i1 to i32
    %sign3A_13 = arith.subi %sign3A_9, %sign3A_12 : i32
    %ne3A = arith.cmpi ne, %sign3A_6, %sign3A_13 : i32
    %rem3A = arith.remsi %add3A, %jit3A : i32
    %ne3A_14 = arith.constant 0 : i32
    %ne3A_15 = arith.cmpi ne, %rem3A, %ne3A_14 : i32
    %and3A = arith.andi %ne3A, %ne3A_15 : i1
    %sub3A = arith.constant 1 : i32
    %sub3A_16 = arith.subi %div3A, %sub3A : i32
    %select_n3A = arith.select %and3A, %sub3A_16, %div3A : i32
    %jit3A_17 = arith.constant 16 : i32
    %eq3A = arith.constant 0 : i32
    %eq3A_18 = arith.cmpi eq, %jit3A_17, %eq3A : i32
    %jit3A_19 = arith.constant 1 : i32
    %select_n3A_20 = arith.select %eq3A_18, %jit3A_19, %jit3A_17 : i32
    %rem3A_21 = arith.remsi %add3A, %select_n3A_20 : i32
    %ne3A_22 = arith.constant 0 : i32
    %ne3A_23 = arith.cmpi ne, %rem3A_21, %ne3A_22 : i32
    %lt3A = arith.constant 0 : i32
    %lt3A_24 = arith.cmpi slt, %rem3A_21, %lt3A : i32
    %lt3A_25 = arith.constant 0 : i32
    %lt3A_26 = arith.cmpi slt, %select_n3A_20, %lt3A_25 : i32
    %ne3A_27 = arith.xori %lt3A_24, %lt3A_26 : i1
    %and3A_28 = arith.andi %ne3A_27, %ne3A_23 : i1
    %add3A_29 = arith.addi %rem3A_21, %select_n3A_20 : i32
    %select_n3A_30 = arith.select %and3A_28, %add3A_29, %rem3A_21 : i32
    %mul3A_31 = arith.constant 128 : i32
    %mul3A_32 = arith.muli %select_n3A_30, %mul3A_31 : i32
    %mul3A_33 = arith.constant 3 : i32
    %mul3A_34 = arith.muli %select_n3A, %mul3A_33 : i32
    %add3A_35 = arith.constant 0 : i32
    %add3A_36 = arith.addi %mul3A_34, %add3A_35 : i32
    %mul3A_37 = arith.constant 2048 : i32
    %mul3A_38 = arith.muli %add3A_36, %mul3A_37 : i32
    %add3A_39 = arith.addi %mul3A_38, %mul3A_32 : i32
    "tpu.region"() ({
      %run_scoped3A = tpu.sem_alloc : memref<!tpu.dma_semaphore, #tpu.memory_space<semaphore_mem>>
      %dma_start3A = tpu.memref_slice %arg2[%add3A_39] : memref<12288xf32, #tpu.memory_space<hbm>> -> memref<128xf32, #tpu.memory_space<hbm>>
      %dma_start3A_89 = tpu.memref_slice %arg2[%add3A_39] : memref<12288xf32, #tpu.memory_space<hbm>> -> memref<128xf32, #tpu.memory_space<hbm>>
      tpu.enqueue_dma source(%dma_start3A_89 : memref<128xf32, #tpu.memory_space<hbm>>) target(%arg6 : memref<128xf32, #tpu.memory_space<vmem>>) target_semaphore(%run_scoped3A : memref<!tpu.dma_semaphore, #tpu.memory_space<semaphore_mem>>)
      %dma_wait3A = tpu.memref_slice %arg2[%add3A_39] : memref<12288xf32, #tpu.memory_space<hbm>> -> memref<128xf32, #tpu.memory_space<hbm>>
      %dma_wait3A_90 = tpu.memref_slice %arg2[%add3A_39] : memref<12288xf32, #tpu.memory_space<hbm>> -> memref<128xf32, #tpu.memory_space<hbm>>
      tpu.wait_dma2 semaphore(%run_scoped3A : memref<!tpu.dma_semaphore, #tpu.memory_space<semaphore_mem>>) src(%dma_wait3A_90 : memref<128xf32, #tpu.memory_space<hbm>>) dst(%arg6 : memref<128xf32, #tpu.memory_space<vmem>>)
      tpu.yield
    }) : () -> ()
    %mul3A_40 = arith.constant 3 : i32
    %mul3A_41 = arith.muli %select_n3A, %mul3A_40 : i32
    %add3A_42 = arith.constant 1 : i32
    %add3A_43 = arith.addi %mul3A_41, %add3A_42 : i32
    %mul3A_44 = arith.constant 2048 : i32
    %mul3A_45 = arith.muli %add3A_43, %mul3A_44 : i32
    %add3A_46 = arith.addi %mul3A_45, %mul3A_32 : i32
    "tpu.region"() ({
      %run_scoped3A = tpu.sem_alloc : memref<!tpu.dma_semaphore, #tpu.memory_space<semaphore_mem>>
      %dma_start3A = tpu.memref_slice %arg2[%add3A_46] : memref<12288xf32, #tpu.memory_space<hbm>> -> memref<128xf32, #tpu.memory_space<hbm>>
      %dma_start3A_89 = tpu.memref_slice %arg2[%add3A_46] : memref<12288xf32, #tpu.memory_space<hbm>> -> memref<128xf32, #tpu.memory_space<hbm>>
      tpu.enqueue_dma source(%dma_start3A_89 : memref<128xf32, #tpu.memory_space<hbm>>) target(%arg7 : memref<128xf32, #tpu.memory_space<vmem>>) target_semaphore(%run_scoped3A : memref<!tpu.dma_semaphore, #tpu.memory_space<semaphore_mem>>)
      %dma_wait3A = tpu.memref_slice %arg2[%add3A_46] : memref<12288xf32, #tpu.memory_space<hbm>> -> memref<128xf32, #tpu.memory_space<hbm>>
      %dma_wait3A_90 = tpu.memref_slice %arg2[%add3A_46] : memref<12288xf32, #tpu.memory_space<hbm>> -> memref<128xf32, #tpu.memory_space<hbm>>
      tpu.wait_dma2 semaphore(%run_scoped3A : memref<!tpu.dma_semaphore, #tpu.memory_space<semaphore_mem>>) src(%dma_wait3A_90 : memref<128xf32, #tpu.memory_space<hbm>>) dst(%arg7 : memref<128xf32, #tpu.memory_space<vmem>>)
      tpu.yield
    }) : () -> ()
    %mul3A_47 = arith.constant 3 : i32
    %mul3A_48 = arith.muli %select_n3A, %mul3A_47 : i32
    %add3A_49 = arith.constant 2 : i32
    %add3A_50 = arith.addi %mul3A_48, %add3A_49 : i32
    %mul3A_51 = arith.constant 2048 : i32
    %mul3A_52 = arith.muli %add3A_50, %mul3A_51 : i32
    %add3A_53 = arith.addi %mul3A_52, %mul3A_32 : i32
    "tpu.region"() ({
      %run_scoped3A = tpu.sem_alloc : memref<!tpu.dma_semaphore, #tpu.memory_space<semaphore_mem>>
      %dma_start3A = tpu.memref_slice %arg2[%add3A_53] : memref<12288xf32, #tpu.memory_space<hbm>> -> memref<128xf32, #tpu.memory_space<hbm>>
      %dma_start3A_89 = tpu.memref_slice %arg2[%add3A_53] : memref<12288xf32, #tpu.memory_space<hbm>> -> memref<128xf32, #tpu.memory_space<hbm>>
      tpu.enqueue_dma source(%dma_start3A_89 : memref<128xf32, #tpu.memory_space<hbm>>) target(%arg8 : memref<128xf32, #tpu.memory_space<vmem>>) target_semaphore(%run_scoped3A : memref<!tpu.dma_semaphore, #tpu.memory_space<semaphore_mem>>)
      %dma_wait3A = tpu.memref_slice %arg2[%add3A_53] : memref<12288xf32, #tpu.memory_space<hbm>> -> memref<128xf32, #tpu.memory_space<hbm>>
      %dma_wait3A_90 = tpu.memref_slice %arg2[%add3A_53] : memref<12288xf32, #tpu.memory_space<hbm>> -> memref<128xf32, #tpu.memory_space<hbm>>
      tpu.wait_dma2 semaphore(%run_scoped3A : memref<!tpu.dma_semaphore, #tpu.memory_space<semaphore_mem>>) src(%dma_wait3A_90 : memref<128xf32, #tpu.memory_space<hbm>>) dst(%arg8 : memref<128xf32, #tpu.memory_space<vmem>>)
      tpu.yield
    }) : () -> ()
    %mul3A_54 = arith.constant 3 : i32
    %mul3A_55 = arith.muli %select_n3A, %mul3A_54 : i32
    %add3A_56 = arith.constant 0 : i32
    %add3A_57 = arith.addi %mul3A_55, %add3A_56 : i32
    %mul3A_58 = arith.constant 2048 : i32
    %mul3A_59 = arith.muli %add3A_57, %mul3A_58 : i32
    "tpu.region"() ({
      %run_scoped3A = tpu.sem_alloc : memref<!tpu.dma_semaphore, #tpu.memory_space<semaphore_mem>>
      %dma_start3A = tpu.memref_slice %arg3[%mul3A_59] : memref<12288xf32, #tpu.memory_space<hbm>> -> memref<2048xf32, #tpu.memory_space<hbm>>
      %dma_start3A_89 = tpu.memref_slice %arg3[%mul3A_59] : memref<12288xf32, #tpu.memory_space<hbm>> -> memref<2048xf32, #tpu.memory_space<hbm>>
      tpu.enqueue_dma source(%dma_start3A_89 : memref<2048xf32, #tpu.memory_space<hbm>>) target(%arg9 : memref<2048xf32, #tpu.memory_space<vmem>>) target_semaphore(%run_scoped3A : memref<!tpu.dma_semaphore, #tpu.memory_space<semaphore_mem>>)
      %dma_wait3A = tpu.memref_slice %arg3[%mul3A_59] : memref<12288xf32, #tpu.memory_space<hbm>> -> memref<2048xf32, #tpu.memory_space<hbm>>
      %dma_wait3A_90 = tpu.memref_slice %arg3[%mul3A_59] : memref<12288xf32, #tpu.memory_space<hbm>> -> memref<2048xf32, #tpu.memory_space<hbm>>
      tpu.wait_dma2 semaphore(%run_scoped3A : memref<!tpu.dma_semaphore, #tpu.memory_space<semaphore_mem>>) src(%dma_wait3A_90 : memref<2048xf32, #tpu.memory_space<hbm>>) dst(%arg9 : memref<2048xf32, #tpu.memory_space<vmem>>)
      tpu.yield
    }) : () -> ()
    %mul3A_60 = arith.constant 3 : i32
    %mul3A_61 = arith.muli %select_n3A, %mul3A_60 : i32
    %add3A_62 = arith.constant 1 : i32
    %add3A_63 = arith.addi %mul3A_61, %add3A_62 : i32
    %mul3A_64 = arith.constant 2048 : i32
    %mul3A_65 = arith.muli %add3A_63, %mul3A_64 : i32
    "tpu.region"() ({
      %run_scoped3A = tpu.sem_alloc : memref<!tpu.dma_semaphore, #tpu.memory_space<semaphore_mem>>
      %dma_start3A = tpu.memref_slice %arg3[%mul3A_65] : memref<12288xf32, #tpu.memory_space<hbm>> -> memref<2048xf32, #tpu.memory_space<hbm>>
      %dma_start3A_89 = tpu.memref_slice %arg3[%mul3A_65] : memref<12288xf32, #tpu.memory_space<hbm>> -> memref<2048xf32, #tpu.memory_space<hbm>>
      tpu.enqueue_dma source(%dma_start3A_89 : memref<2048xf32, #tpu.memory_space<hbm>>) target(%arg10 : memref<2048xf32, #tpu.memory_space<vmem>>) target_semaphore(%run_scoped3A : memref<!tpu.dma_semaphore, #tpu.memory_space<semaphore_mem>>)
      %dma_wait3A = tpu.memref_slice %arg3[%mul3A_65] : memref<12288xf32, #tpu.memory_space<hbm>> -> memref<2048xf32, #tpu.memory_space<hbm>>
      %dma_wait3A_90 = tpu.memref_slice %arg3[%mul3A_65] : memref<12288xf32, #tpu.memory_space<hbm>> -> memref<2048xf32, #tpu.memory_space<hbm>>
      tpu.wait_dma2 semaphore(%run_scoped3A : memref<!tpu.dma_semaphore, #tpu.memory_space<semaphore_mem>>) src(%dma_wait3A_90 : memref<2048xf32, #tpu.memory_space<hbm>>) dst(%arg10 : memref<2048xf32, #tpu.memory_space<vmem>>)
      tpu.yield
    }) : () -> ()
    %mul3A_66 = arith.constant 3 : i32
    %mul3A_67 = arith.muli %select_n3A, %mul3A_66 : i32
    %add3A_68 = arith.constant 2 : i32
    %add3A_69 = arith.addi %mul3A_67, %add3A_68 : i32
    %mul3A_70 = arith.constant 2048 : i32
    %mul3A_71 = arith.muli %add3A_69, %mul3A_70 : i32
    "tpu.region"() ({
      %run_scoped3A = tpu.sem_alloc : memref<!tpu.dma_semaphore, #tpu.memory_space<semaphore_mem>>
      %dma_start3A = tpu.memref_slice %arg3[%mul3A_71] : memref<12288xf32, #tpu.memory_space<hbm>> -> memref<2048xf32, #tpu.memory_space<hbm>>
      %dma_start3A_89 = tpu.memref_slice %arg3[%mul3A_71] : memref<12288xf32, #tpu.memory_space<hbm>> -> memref<2048xf32, #tpu.memory_space<hbm>>
      tpu.enqueue_dma source(%dma_start3A_89 : memref<2048xf32, #tpu.memory_space<hbm>>) target(%arg11 : memref<2048xf32, #tpu.memory_space<vmem>>) target_semaphore(%run_scoped3A : memref<!tpu.dma_semaphore, #tpu.memory_space<semaphore_mem>>)
      %dma_wait3A = tpu.memref_slice %arg3[%mul3A_71] : memref<12288xf32, #tpu.memory_space<hbm>> -> memref<2048xf32, #tpu.memory_space<hbm>>
      %dma_wait3A_90 = tpu.memref_slice %arg3[%mul3A_71] : memref<12288xf32, #tpu.memory_space<hbm>> -> memref<2048xf32, #tpu.memory_space<hbm>>
      tpu.wait_dma2 semaphore(%run_scoped3A : memref<!tpu.dma_semaphore, #tpu.memory_space<semaphore_mem>>) src(%dma_wait3A_90 : memref<2048xf32, #tpu.memory_space<hbm>>) dst(%arg11 : memref<2048xf32, #tpu.memory_space<vmem>>)
      tpu.yield
    }) : () -> ()
    %scan3A = arith.constant 0 : i32
    %scan3A_72 = arith.constant 0 : i32
    %scan3A_73 = arith.constant 128 : i32
    %scan3A_74 = arith.addi %scan3A_72, %scan3A_73 : i32
    %scan3A_75 = arith.constant 1 : i32
    scf.for %scan3A_89 = %scan3A_72 to %scan3A_74 step %scan3A_75  : i32 {
      %broadcast_in_dim3A = arith.constant 3.000000e+38 : f32
      %broadcast_in_dim3A_90 = vector.broadcast %broadcast_in_dim3A : f32 to vector<16xf32>
      %mul3A_91 = arith.constant 16 : i32
      %mul3A_92 = arith.muli %scan3A_89, %mul3A_91 : i32
      %swap3A = arith.index_cast %mul3A_92 : i32 to index
      %swap3A_93 = tpu.vector_load %arg13[%swap3A] {strides = array<i32>} : memref<2048xf32, #tpu.memory_space<vmem>>, vector<16xf32>,
      %swap3A_94 = vector.shape_cast %swap3A_93 : vector<16xf32> to vector<16xf32>
      %swap3A_95 = vector.shape_cast %broadcast_in_dim3A_90 : vector<16xf32> to vector<16xf32>
      tpu.vector_store %arg13[%swap3A], %swap3A_95 {strides = array<i32>} : memref<2048xf32, #tpu.memory_space<vmem>>, vector<16xf32>,
    }
    %scan3A_76 = arith.constant 128 : i32
    %scan3A_77 = arith.constant 0 : i32
    %scan3A_78 = arith.constant 0 : i32
    %scan3A_79 = arith.constant 8 : i32
    %scan3A_80 = arith.addi %scan3A_78, %scan3A_79 : i32
    %scan3A_81 = arith.constant 1 : i32
    scf.for %scan3A_89 = %scan3A_78 to %scan3A_80 step %scan3A_81  : i32 {
      %mul3A_90 = arith.constant 16 : i32
      %mul3A_91 = arith.muli %scan3A_89, %mul3A_90 : i32
      %get3A = arith.index_cast %mul3A_91 : i32 to index
      %get3A_92 = tpu.vector_load %arg6[%get3A] {strides = array<i32>} : memref<128xf32, #tpu.memory_space<vmem>>, vector<16xf32>,
      %get3A_93 = vector.shape_cast %get3A_92 : vector<16xf32> to vector<16xf32>
      %get3A_94 = arith.index_cast %mul3A_91 : i32 to index
      %get3A_95 = tpu.vector_load %arg7[%get3A_94] {strides = array<i32>} : memref<128xf32, #tpu.memory_space<vmem>>, vector<16xf32>,
      %get3A_96 = vector.shape_cast %get3A_95 : vector<16xf32> to vector<16xf32>
      %get3A_97 = arith.index_cast %mul3A_91 : i32 to index
      %get3A_98 = tpu.vector_load %arg8[%get3A_97] {strides = array<i32>} : memref<128xf32, #tpu.memory_space<vmem>>, vector<16xf32>,
      %get3A_99 = vector.shape_cast %get3A_98 : vector<16xf32> to vector<16xf32>
      %slice3A = vector.extract_strided_slice %get3A_93 {offsets = [0], sizes = [1], strides = [1]} : vector<16xf32> to vector<1xf32>
      %squeeze3A = vector.extract %slice3A[0] : f32 from vector<1xf32>
      %slice3A_100 = vector.extract_strided_slice %get3A_96 {offsets = [0], sizes = [1], strides = [1]} : vector<16xf32> to vector<1xf32>
      %squeeze3A_101 = vector.extract %slice3A_100[0] : f32 from vector<1xf32>
      %slice3A_102 = vector.extract_strided_slice %get3A_99 {offsets = [0], sizes = [1], strides = [1]} : vector<16xf32> to vector<1xf32>
      %squeeze3A_103 = vector.extract %slice3A_102[0] : f32 from vector<1xf32>
      %slice3A_104 = vector.extract_strided_slice %get3A_93 {offsets = [1], sizes = [1], strides = [1]} : vector<16xf32> to vector<1xf32>
      %squeeze3A_105 = vector.extract %slice3A_104[0] : f32 from vector<1xf32>
      %slice3A_106 = vector.extract_strided_slice %get3A_96 {offsets = [1], sizes = [1], strides = [1]} : vector<16xf32> to vector<1xf32>
      %squeeze3A_107 = vector.extract %slice3A_106[0] : f32 from vector<1xf32>
      %slice3A_108 = vector.extract_strided_slice %get3A_99 {offsets = [1], sizes = [1], strides = [1]} : vector<16xf32> to vector<1xf32>
      %squeeze3A_109 = vector.extract %slice3A_108[0] : f32 from vector<1xf32>
      %slice3A_110 = vector.extract_strided_slice %get3A_93 {offsets = [2], sizes = [1], strides = [1]} : vector<16xf32> to vector<1xf32>
      %squeeze3A_111 = vector.extract %slice3A_110[0] : f32 from vector<1xf32>
      %slice3A_112 = vector.extract_strided_slice %get3A_96 {offsets = [2], sizes = [1], strides = [1]} : vector<16xf32> to vector<1xf32>
      %squeeze3A_113 = vector.extract %slice3A_112[0] : f32 from vector<1xf32>
      %slice3A_114 = vector.extract_strided_slice %get3A_99 {offsets = [2], sizes = [1], strides = [1]} : vector<16xf32> to vector<1xf32>
      %squeeze3A_115 = vector.extract %slice3A_114[0] : f32 from vector<1xf32>
      %slice3A_116 = vector.extract_strided_slice %get3A_93 {offsets = [3], sizes = [1], strides = [1]} : vector<16xf32> to vector<1xf32>
      %squeeze3A_117 = vector.extract %slice3A_116[0] : f32 from vector<1xf32>
      %slice3A_118 = vector.extract_strided_slice %get3A_96 {offsets = [3], sizes = [1], strides = [1]} : vector<16xf32> to vector<1xf32>
      %squeeze3A_119 = vector.extract %slice3A_118[0] : f32 from vector<1xf32>
      %slice3A_120 = vector.extract_strided_slice %get3A_99 {offsets = [3], sizes = [1], strides = [1]} : vector<16xf32> to vector<1xf32>
      %squeeze3A_121 = vector.extract %slice3A_120[0] : f32 from vector<1xf32>
      %slice3A_122 = vector.extract_strided_slice %get3A_93 {offsets = [4], sizes = [1], strides = [1]} : vector<16xf32> to vector<1xf32>
      %squeeze3A_123 = vector.extract %slice3A_122[0] : f32 from vector<1xf32>
      %slice3A_124 = vector.extract_strided_slice %get3A_96 {offsets = [4], sizes = [1], strides = [1]} : vector<16xf32> to vector<1xf32>
      %squeeze3A_125 = vector.extract %slice3A_124[0] : f32 from vector<1xf32>
      %slice3A_126 = vector.extract_strided_slice %get3A_99 {offsets = [4], sizes = [1], strides = [1]} : vector<16xf32> to vector<1xf32>
      %squeeze3A_127 = vector.extract %slice3A_126[0] : f32 from vector<1xf32>
      %slice3A_128 = vector.extract_strided_slice %get3A_93 {offsets = [5], sizes = [1], strides = [1]} : vector<16xf32> to vector<1xf32>
      %squeeze3A_129 = vector.extract %slice3A_128[0] : f32 from vector<1xf32>
      %slice3A_130 = vector.extract_strided_slice %get3A_96 {offsets = [5], sizes = [1], strides = [1]} : vector<16xf32> to vector<1xf32>
      %squeeze3A_131 = vector.extract %slice3A_130[0] : f32 from vector<1xf32>
      %slice3A_132 = vector.extract_strided_slice %get3A_99 {offsets = [5], sizes = [1], strides = [1]} : vector<16xf32> to vector<1xf32>
      %squeeze3A_133 = vector.extract %slice3A_132[0] : f32 from vector<1xf32>
      %slice3A_134 = vector.extract_strided_slice %get3A_93 {offsets = [6], sizes = [1], strides = [1]} : vector<16xf32> to vector<1xf32>
      %squeeze3A_135 = vector.extract %slice3A_134[0] : f32 from vector<1xf32>
      %slice3A_136 = vector.extract_strided_slice %get3A_96 {offsets = [6], sizes = [1], strides = [1]} : vector<16xf32> to vector<1xf32>
      %squeeze3A_137 = vector.extract %slice3A_136[0] : f32 from vector<1xf32>
      %slice3A_138 = vector.extract_strided_slice %get3A_99 {offsets = [6], sizes = [1], strides = [1]} : vector<16xf32> to vector<1xf32>
      %squeeze3A_139 = vector.extract %slice3A_138[0] : f32 from vector<1xf32>
      %slice3A_140 = vector.extract_strided_slice %get3A_93 {offsets = [7], sizes = [1], strides = [1]} : vector<16xf32> to vector<1xf32>
      %squeeze3A_141 = vector.extract %slice3A_140[0] : f32 from vector<1xf32>
      %slice3A_142 = vector.extract_strided_slice %get3A_96 {offsets = [7], sizes = [1], strides = [1]} : vector<16xf32> to vector<1xf32>
      %squeeze3A_143 = vector.extract %slice3A_142[0] : f32 from vector<1xf32>
      %slice3A_144 = vector.extract_strided_slice %get3A_99 {offsets = [7], sizes = [1], strides = [1]} : vector<16xf32> to vector<1xf32>
      %squeeze3A_145 = vector.extract %slice3A_144[0] : f32 from vector<1xf32>
      %broadcast_in_dim3A = arith.constant 3.000000e+38 : f32
      %broadcast_in_dim3A_146 = vector.broadcast %broadcast_in_dim3A : f32 to vector<16xf32>
      %scan3A_147 = arith.constant 0 : i32
      %scan3A_148 = arith.constant 128 : i32
      %scan3A_149 = arith.addi %scan3A_147, %scan3A_148 : i32
      %scan3A_150 = arith.constant 1 : i32
      %scan3A_151:8 = scf.for %scan3A_368 = %scan3A_147 to %scan3A_149 step %scan3A_150 iter_args(%scan3A_369 = %broadcast_in_dim3A_146, %scan3A_370 = %broadcast_in_dim3A_146, %scan3A_371 = %broadcast_in_dim3A_146, %scan3A_372 = %broadcast_in_dim3A_146, %scan3A_373 = %broadcast_in_dim3A_146, %scan3A_374 = %broadcast_in_dim3A_146, %scan3A_375 = %broadcast_in_dim3A_146, %scan3A_376 = %broadcast_in_dim3A_146) -> (vector<16xf32>, vector<16xf32>, vector<16xf32>, vector<16xf32>, vector<16xf32>, vector<16xf32>, vector<16xf32>, vector<16xf32>)  : i32 {
        %mul3A_377 = arith.constant 16 : i32
        %mul3A_378 = arith.muli %scan3A_368, %mul3A_377 : i32
        %get3A_379 = arith.index_cast %mul3A_378 : i32 to index
        %get3A_380 = tpu.vector_load %arg9[%get3A_379] {strides = array<i32>} : memref<2048xf32, #tpu.memory_space<vmem>>, vector<16xf32>,
        %get3A_381 = vector.shape_cast %get3A_380 : vector<16xf32> to vector<16xf32>
        %get3A_382 = arith.index_cast %mul3A_378 : i32 to index
        %get3A_383 = tpu.vector_load %arg10[%get3A_382] {strides = array<i32>} : memref<2048xf32, #tpu.memory_space<vmem>>, vector<16xf32>,
        %get3A_384 = vector.shape_cast %get3A_383 : vector<16xf32> to vector<16xf32>
        %get3A_385 = arith.index_cast %mul3A_378 : i32 to index
        %get3A_386 = tpu.vector_load %arg11[%get3A_385] {strides = array<i32>} : memref<2048xf32, #tpu.memory_space<vmem>>, vector<16xf32>,
        %get3A_387 = vector.shape_cast %get3A_386 : vector<16xf32> to vector<16xf32>
        %sub3A_388 = vector.broadcast %squeeze3A : f32 to vector<16xf32>
        %sub3A_389 = arith.subf %get3A_381, %sub3A_388 : vector<16xf32>
        %sub3A_390 = vector.broadcast %squeeze3A_101 : f32 to vector<16xf32>
        %sub3A_391 = arith.subf %get3A_384, %sub3A_390 : vector<16xf32>
        %sub3A_392 = vector.broadcast %squeeze3A_103 : f32 to vector<16xf32>
        %sub3A_393 = arith.subf %get3A_387, %sub3A_392 : vector<16xf32>
        %mul3A_394 = arith.mulf %sub3A_389, %sub3A_389 : vector<16xf32>
        %mul3A_395 = arith.mulf %sub3A_391, %sub3A_391 : vector<16xf32>
        %add3A_396 = arith.addf %mul3A_394, %mul3A_395 : vector<16xf32>
        %mul3A_397 = arith.mulf %sub3A_393, %sub3A_393 : vector<16xf32>
        %add3A_398 = arith.addf %add3A_396, %mul3A_397 : vector<16xf32>
        %min3A = arith.minimumf %scan3A_369, %add3A_398 : vector<16xf32>
        %sub3A_399 = vector.broadcast %squeeze3A_105 : f32 to vector<16xf32>
        %sub3A_400 = arith.subf %get3A_381, %sub3A_399 : vector<16xf32>
        %sub3A_401 = vector.broadcast %squeeze3A_107 : f32 to vector<16xf32>
        %sub3A_402 = arith.subf %get3A_384, %sub3A_401 : vector<16xf32>
        %sub3A_403 = vector.broadcast %squeeze3A_109 : f32 to vector<16xf32>
        %sub3A_404 = arith.subf %get3A_387, %sub3A_403 : vector<16xf32>
        %mul3A_405 = arith.mulf %sub3A_400, %sub3A_400 : vector<16xf32>
        %mul3A_406 = arith.mulf %sub3A_402, %sub3A_402 : vector<16xf32>
        %add3A_407 = arith.addf %mul3A_405, %mul3A_406 : vector<16xf32>
        %mul3A_408 = arith.mulf %sub3A_404, %sub3A_404 : vector<16xf32>
        %add3A_409 = arith.addf %add3A_407, %mul3A_408 : vector<16xf32>
        %min3A_410 = arith.minimumf %scan3A_370, %add3A_409 : vector<16xf32>
        %min3A_411 = arith.minimumf %add3A_398, %add3A_409 : vector<16xf32>
        %sub3A_412 = vector.broadcast %squeeze3A_111 : f32 to vector<16xf32>
        %sub3A_413 = arith.subf %get3A_381, %sub3A_412 : vector<16xf32>
        %sub3A_414 = vector.broadcast %squeeze3A_113 : f32 to vector<16xf32>
        %sub3A_415 = arith.subf %get3A_384, %sub3A_414 : vector<16xf32>
        %sub3A_416 = vector.broadcast %squeeze3A_115 : f32 to vector<16xf32>
        %sub3A_417 = arith.subf %get3A_387, %sub3A_416 : vector<16xf32>
        %mul3A_418 = arith.mulf %sub3A_413, %sub3A_413 : vector<16xf32>
        %mul3A_419 = arith.mulf %sub3A_415, %sub3A_415 : vector<16xf32>
        %add3A_420 = arith.addf %mul3A_418, %mul3A_419 : vector<16xf32>
        %mul3A_421 = arith.mulf %sub3A_417, %sub3A_417 : vector<16xf32>
        %add3A_422 = arith.addf %add3A_420, %mul3A_421 : vector<16xf32>
        %min3A_423 = arith.minimumf %scan3A_371, %add3A_422 : vector<16xf32>
        %min3A_424 = arith.minimumf %min3A_411, %add3A_422 : vector<16xf32>
        %sub3A_425 = vector.broadcast %squeeze3A_117 : f32 to vector<16xf32>
        %sub3A_426 = arith.subf %get3A_381, %sub3A_425 : vector<16xf32>
        %sub3A_427 = vector.broadcast %squeeze3A_119 : f32 to vector<16xf32>
        %sub3A_428 = arith.subf %get3A_384, %sub3A_427 : vector<16xf32>
        %sub3A_429 = vector.broadcast %squeeze3A_121 : f32 to vector<16xf32>
        %sub3A_430 = arith.subf %get3A_387, %sub3A_429 : vector<16xf32>
        %mul3A_431 = arith.mulf %sub3A_426, %sub3A_426 : vector<16xf32>
        %mul3A_432 = arith.mulf %sub3A_428, %sub3A_428 : vector<16xf32>
        %add3A_433 = arith.addf %mul3A_431, %mul3A_432 : vector<16xf32>
        %mul3A_434 = arith.mulf %sub3A_430, %sub3A_430 : vector<16xf32>
        %add3A_435 = arith.addf %add3A_433, %mul3A_434 : vector<16xf32>
        %min3A_436 = arith.minimumf %scan3A_372, %add3A_435 : vector<16xf32>
        %min3A_437 = arith.minimumf %min3A_424, %add3A_435 : vector<16xf32>
        %sub3A_438 = vector.broadcast %squeeze3A_123 : f32 to vector<16xf32>
        %sub3A_439 = arith.subf %get3A_381, %sub3A_438 : vector<16xf32>
        %sub3A_440 = vector.broadcast %squeeze3A_125 : f32 to vector<16xf32>
        %sub3A_441 = arith.subf %get3A_384, %sub3A_440 : vector<16xf32>
        %sub3A_442 = vector.broadcast %squeeze3A_127 : f32 to vector<16xf32>
        %sub3A_443 = arith.subf %get3A_387, %sub3A_442 : vector<16xf32>
        %mul3A_444 = arith.mulf %sub3A_439, %sub3A_439 : vector<16xf32>
        %mul3A_445 = arith.mulf %sub3A_441, %sub3A_441 : vector<16xf32>
        %add3A_446 = arith.addf %mul3A_444, %mul3A_445 : vector<16xf32>
        %mul3A_447 = arith.mulf %sub3A_443, %sub3A_443 : vector<16xf32>
        %add3A_448 = arith.addf %add3A_446, %mul3A_447 : vector<16xf32>
        %min3A_449 = arith.minimumf %scan3A_373, %add3A_448 : vector<16xf32>
        %min3A_450 = arith.minimumf %min3A_437, %add3A_448 : vector<16xf32>
        %sub3A_451 = vector.broadcast %squeeze3A_129 : f32 to vector<16xf32>
        %sub3A_452 = arith.subf %get3A_381, %sub3A_451 : vector<16xf32>
        %sub3A_453 = vector.broadcast %squeeze3A_131 : f32 to vector<16xf32>
        %sub3A_454 = arith.subf %get3A_384, %sub3A_453 : vector<16xf32>
        %sub3A_455 = vector.broadcast %squeeze3A_133 : f32 to vector<16xf32>
        %sub3A_456 = arith.subf %get3A_387, %sub3A_455 : vector<16xf32>
        %mul3A_457 = arith.mulf %sub3A_452, %sub3A_452 : vector<16xf32>
        %mul3A_458 = arith.mulf %sub3A_454, %sub3A_454 : vector<16xf32>
        %add3A_459 = arith.addf %mul3A_457, %mul3A_458 : vector<16xf32>
        %mul3A_460 = arith.mulf %sub3A_456, %sub3A_456 : vector<16xf32>
        %add3A_461 = arith.addf %add3A_459, %mul3A_460 : vector<16xf32>
        %min3A_462 = arith.minimumf %scan3A_374, %add3A_461 : vector<16xf32>
        %min3A_463 = arith.minimumf %min3A_450, %add3A_461 : vector<16xf32>
        %sub3A_464 = vector.broadcast %squeeze3A_135 : f32 to vector<16xf32>
        %sub3A_465 = arith.subf %get3A_381, %sub3A_464 : vector<16xf32>
        %sub3A_466 = vector.broadcast %squeeze3A_137 : f32 to vector<16xf32>
        %sub3A_467 = arith.subf %get3A_384, %sub3A_466 : vector<16xf32>
        %sub3A_468 = vector.broadcast %squeeze3A_139 : f32 to vector<16xf32>
        %sub3A_469 = arith.subf %get3A_387, %sub3A_468 : vector<16xf32>
        %mul3A_470 = arith.mulf %sub3A_465, %sub3A_465 : vector<16xf32>
        %mul3A_471 = arith.mulf %sub3A_467, %sub3A_467 : vector<16xf32>
        %add3A_472 = arith.addf %mul3A_470, %mul3A_471 : vector<16xf32>
        %mul3A_473 = arith.mulf %sub3A_469, %sub3A_469 : vector<16xf32>
        %add3A_474 = arith.addf %add3A_472, %mul3A_473 : vector<16xf32>
        %min3A_475 = arith.minimumf %scan3A_375, %add3A_474 : vector<16xf32>
        %min3A_476 = arith.minimumf %min3A_463, %add3A_474 : vector<16xf32>
        %sub3A_477 = vector.broadcast %squeeze3A_141 : f32 to vector<16xf32>
        %sub3A_478 = arith.subf %get3A_381, %sub3A_477 : vector<16xf32>
        %sub3A_479 = vector.broadcast %squeeze3A_143 : f32 to vector<16xf32>
        %sub3A_480 = arith.subf %get3A_384, %sub3A_479 : vector<16xf32>
        %sub3A_481 = vector.broadcast %squeeze3A_145 : f32 to vector<16xf32>
        %sub3A_482 = arith.subf %get3A_387, %sub3A_481 : vector<16xf32>
        %mul3A_483 = arith.mulf %sub3A_478, %sub3A_478 : vector<16xf32>
        %mul3A_484 = arith.mulf %sub3A_480, %sub3A_480 : vector<16xf32>
        %add3A_485 = arith.addf %mul3A_483, %mul3A_484 : vector<16xf32>
        %mul3A_486 = arith.mulf %sub3A_482, %sub3A_482 : vector<16xf32>
        %add3A_487 = arith.addf %add3A_485, %mul3A_486 : vector<16xf32>
        %min3A_488 = arith.minimumf %scan3A_376, %add3A_487 : vector<16xf32>
        %min3A_489 = arith.minimumf %min3A_476, %add3A_487 : vector<16xf32>
        %get3A_490 = arith.index_cast %mul3A_378 : i32 to index
        %get3A_491 = tpu.vector_load %arg13[%get3A_490] {strides = array<i32>} : memref<2048xf32, #tpu.memory_space<vmem>>, vector<16xf32>,
        %get3A_492 = vector.shape_cast %get3A_491 : vector<16xf32> to vector<16xf32>
        %min3A_493 = arith.minimumf %get3A_492, %min3A_489 : vector<16xf32>
        %swap3A_494 = arith.index_cast %mul3A_378 : i32 to index
        %swap3A_495 = tpu.vector_load %arg13[%swap3A_494] {strides = array<i32>} : memref<2048xf32, #tpu.memory_space<vmem>>, vector<16xf32>,
        %swap3A_496 = vector.shape_cast %swap3A_495 : vector<16xf32> to vector<16xf32>
        %swap3A_497 = vector.shape_cast %min3A_493 : vector<16xf32> to vector<16xf32>
        tpu.vector_store %arg13[%swap3A_494], %swap3A_497 {strides = array<i32>} : memref<2048xf32, #tpu.memory_space<vmem>>, vector<16xf32>,
        scf.yield %min3A, %min3A_410, %min3A_423, %min3A_436, %min3A_449, %min3A_462, %min3A_475, %min3A_488 : vector<16xf32>, vector<16xf32>, vector<16xf32>, vector<16xf32>, vector<16xf32>, vector<16xf32>, vector<16xf32>, vector<16xf32>
      }
      %scan3A_152 = arith.constant 128 : i32
      %add3A_153 = arith.constant 0 : i32
      %add3A_154 = arith.addi %mul3A_91, %add3A_153 : i32
      %add3A_155 = arith.constant 0 : i32
      %add3A_156 = arith.addi %add3A_154, %add3A_155 : i32
      %mul3A_157 = arith.constant 16 : i32
      %mul3A_158 = arith.muli %add3A_156, %mul3A_157 : i32
      %swap3A = arith.index_cast %mul3A_158 : i32 to index
      %swap3A_159 = tpu.vector_load %arg12[%swap3A] {strides = array<i32>} : memref<2048xf32, #tpu.memory_space<vmem>>, vector<16xf32>,
      %swap3A_160 = vector.shape_cast %swap3A_159 : vector<16xf32> to vector<16xf32>
      %swap3A_161 = vector.shape_cast %scan3A_151#0 : vector<16xf32> to vector<16xf32>
      tpu.vector_store %arg12[%swap3A], %swap3A_161 {strides = array<i32>} : memref<2048xf32, #tpu.memory_space<vmem>>, vector<16xf32>,
      %add3A_162 = arith.constant 0 : i32
      %add3A_163 = arith.addi %mul3A_91, %add3A_162 : i32
      %add3A_164 = arith.constant 1 : i32
      %add3A_165 = arith.addi %add3A_163, %add3A_164 : i32
      %mul3A_166 = arith.constant 16 : i32
      %mul3A_167 = arith.muli %add3A_165, %mul3A_166 : i32
      %swap3A_168 = arith.index_cast %mul3A_167 : i32 to index
      %swap3A_169 = tpu.vector_load %arg12[%swap3A_168] {strides = array<i32>} : memref<2048xf32, #tpu.memory_space<vmem>>, vector<16xf32>,
      %swap3A_170 = vector.shape_cast %swap3A_169 : vector<16xf32> to vector<16xf32>
      %swap3A_171 = vector.shape_cast %scan3A_151#1 : vector<16xf32> to vector<16xf32>
      tpu.vector_store %arg12[%swap3A_168], %swap3A_171 {strides = array<i32>} : memref<2048xf32, #tpu.memory_space<vmem>>, vector<16xf32>,
      %add3A_172 = arith.constant 0 : i32
      %add3A_173 = arith.addi %mul3A_91, %add3A_172 : i32
      %add3A_174 = arith.constant 2 : i32
      %add3A_175 = arith.addi %add3A_173, %add3A_174 : i32
      %mul3A_176 = arith.constant 16 : i32
      %mul3A_177 = arith.muli %add3A_175, %mul3A_176 : i32
      %swap3A_178 = arith.index_cast %mul3A_177 : i32 to index
      %swap3A_179 = tpu.vector_load %arg12[%swap3A_178] {strides = array<i32>} : memref<2048xf32, #tpu.memory_space<vmem>>, vector<16xf32>,
      %swap3A_180 = vector.shape_cast %swap3A_179 : vector<16xf32> to vector<16xf32>
      %swap3A_181 = vector.shape_cast %scan3A_151#2 : vector<16xf32> to vector<16xf32>
      tpu.vector_store %arg12[%swap3A_178], %swap3A_181 {strides = array<i32>} : memref<2048xf32, #tpu.memory_space<vmem>>, vector<16xf32>,
      %add3A_182 = arith.constant 0 : i32
      %add3A_183 = arith.addi %mul3A_91, %add3A_182 : i32
      %add3A_184 = arith.constant 3 : i32
      %add3A_185 = arith.addi %add3A_183, %add3A_184 : i32
      %mul3A_186 = arith.constant 16 : i32
      %mul3A_187 = arith.muli %add3A_185, %mul3A_186 : i32
      %swap3A_188 = arith.index_cast %mul3A_187 : i32 to index
      %swap3A_189 = tpu.vector_load %arg12[%swap3A_188] {strides = array<i32>} : memref<2048xf32, #tpu.memory_space<vmem>>, vector<16xf32>,
      %swap3A_190 = vector.shape_cast %swap3A_189 : vector<16xf32> to vector<16xf32>
      %swap3A_191 = vector.shape_cast %scan3A_151#3 : vector<16xf32> to vector<16xf32>
      tpu.vector_store %arg12[%swap3A_188], %swap3A_191 {strides = array<i32>} : memref<2048xf32, #tpu.memory_space<vmem>>, vector<16xf32>,
      %add3A_192 = arith.constant 0 : i32
      %add3A_193 = arith.addi %mul3A_91, %add3A_192 : i32
      %add3A_194 = arith.constant 4 : i32
      %add3A_195 = arith.addi %add3A_193, %add3A_194 : i32
      %mul3A_196 = arith.constant 16 : i32
      %mul3A_197 = arith.muli %add3A_195, %mul3A_196 : i32
      %swap3A_198 = arith.index_cast %mul3A_197 : i32 to index
      %swap3A_199 = tpu.vector_load %arg12[%swap3A_198] {strides = array<i32>} : memref<2048xf32, #tpu.memory_space<vmem>>, vector<16xf32>,
      %swap3A_200 = vector.shape_cast %swap3A_199 : vector<16xf32> to vector<16xf32>
      %swap3A_201 = vector.shape_cast %scan3A_151#4 : vector<16xf32> to vector<16xf32>
      tpu.vector_store %arg12[%swap3A_198], %swap3A_201 {strides = array<i32>} : memref<2048xf32, #tpu.memory_space<vmem>>, vector<16xf32>,
      %add3A_202 = arith.constant 0 : i32
      %add3A_203 = arith.addi %mul3A_91, %add3A_202 : i32
      %add3A_204 = arith.constant 5 : i32
      %add3A_205 = arith.addi %add3A_203, %add3A_204 : i32
      %mul3A_206 = arith.constant 16 : i32
      %mul3A_207 = arith.muli %add3A_205, %mul3A_206 : i32
      %swap3A_208 = arith.index_cast %mul3A_207 : i32 to index
      %swap3A_209 = tpu.vector_load %arg12[%swap3A_208] {strides = array<i32>} : memref<2048xf32, #tpu.memory_space<vmem>>, vector<16xf32>,
      %swap3A_210 = vector.shape_cast %swap3A_209 : vector<16xf32> to vector<16xf32>
      %swap3A_211 = vector.shape_cast %scan3A_151#5 : vector<16xf32> to vector<16xf32>
      tpu.vector_store %arg12[%swap3A_208], %swap3A_211 {strides = array<i32>} : memref<2048xf32, #tpu.memory_space<vmem>>, vector<16xf32>,
      %add3A_212 = arith.constant 0 : i32
      %add3A_213 = arith.addi %mul3A_91, %add3A_212 : i32
      %add3A_214 = arith.constant 6 : i32
      %add3A_215 = arith.addi %add3A_213, %add3A_214 : i32
      %mul3A_216 = arith.constant 16 : i32
      %mul3A_217 = arith.muli %add3A_215, %mul3A_216 : i32
      %swap3A_218 = arith.index_cast %mul3A_217 : i32 to index
      %swap3A_219 = tpu.vector_load %arg12[%swap3A_218] {strides = array<i32>} : memref<2048xf32, #tpu.memory_space<vmem>>, vector<16xf32>,
      %swap3A_220 = vector.shape_cast %swap3A_219 : vector<16xf32> to vector<16xf32>
      %swap3A_221 = vector.shape_cast %scan3A_151#6 : vector<16xf32> to vector<16xf32>
      tpu.vector_store %arg12[%swap3A_218], %swap3A_221 {strides = array<i32>} : memref<2048xf32, #tpu.memory_space<vmem>>, vector<16xf32>,
      %add3A_222 = arith.constant 0 : i32
      %add3A_223 = arith.addi %mul3A_91, %add3A_222 : i32
      %add3A_224 = arith.constant 7 : i32
      %add3A_225 = arith.addi %add3A_223, %add3A_224 : i32
      %mul3A_226 = arith.constant 16 : i32
      %mul3A_227 = arith.muli %add3A_225, %mul3A_226 : i32
      %swap3A_228 = arith.index_cast %mul3A_227 : i32 to index
      %swap3A_229 = tpu.vector_load %arg12[%swap3A_228] {strides = array<i32>} : memref<2048xf32, #tpu.memory_space<vmem>>, vector<16xf32>,
      %swap3A_230 = vector.shape_cast %swap3A_229 : vector<16xf32> to vector<16xf32>
      %swap3A_231 = vector.shape_cast %scan3A_151#7 : vector<16xf32> to vector<16xf32>
      tpu.vector_store %arg12[%swap3A_228], %swap3A_231 {strides = array<i32>} : memref<2048xf32, #tpu.memory_space<vmem>>, vector<16xf32>,
      %slice3A_232 = vector.extract_strided_slice %get3A_93 {offsets = [8], sizes = [1], strides = [1]} : vector<16xf32> to vector<1xf32>
      %squeeze3A_233 = vector.extract %slice3A_232[0] : f32 from vector<1xf32>
      %slice3A_234 = vector.extract_strided_slice %get3A_96 {offsets = [8], sizes = [1], strides = [1]} : vector<16xf32> to vector<1xf32>
      %squeeze3A_235 = vector.extract %slice3A_234[0] : f32 from vector<1xf32>
      %slice3A_236 = vector.extract_strided_slice %get3A_99 {offsets = [8], sizes = [1], strides = [1]} : vector<16xf32> to vector<1xf32>
      %squeeze3A_237 = vector.extract %slice3A_236[0] : f32 from vector<1xf32>
      %slice3A_238 = vector.extract_strided_slice %get3A_93 {offsets = [9], sizes = [1], strides = [1]} : vector<16xf32> to vector<1xf32>
      %squeeze3A_239 = vector.extract %slice3A_238[0] : f32 from vector<1xf32>
      %slice3A_240 = vector.extract_strided_slice %get3A_96 {offsets = [9], sizes = [1], strides = [1]} : vector<16xf32> to vector<1xf32>
      %squeeze3A_241 = vector.extract %slice3A_240[0] : f32 from vector<1xf32>
      %slice3A_242 = vector.extract_strided_slice %get3A_99 {offsets = [9], sizes = [1], strides = [1]} : vector<16xf32> to vector<1xf32>
      %squeeze3A_243 = vector.extract %slice3A_242[0] : f32 from vector<1xf32>
      %slice3A_244 = vector.extract_strided_slice %get3A_93 {offsets = [10], sizes = [1], strides = [1]} : vector<16xf32> to vector<1xf32>
      %squeeze3A_245 = vector.extract %slice3A_244[0] : f32 from vector<1xf32>
      %slice3A_246 = vector.extract_strided_slice %get3A_96 {offsets = [10], sizes = [1], strides = [1]} : vector<16xf32> to vector<1xf32>
      %squeeze3A_247 = vector.extract %slice3A_246[0] : f32 from vector<1xf32>
      %slice3A_248 = vector.extract_strided_slice %get3A_99 {offsets = [10], sizes = [1], strides = [1]} : vector<16xf32> to vector<1xf32>
      %squeeze3A_249 = vector.extract %slice3A_248[0] : f32 from vector<1xf32>
      %slice3A_250 = vector.extract_strided_slice %get3A_93 {offsets = [11], sizes = [1], strides = [1]} : vector<16xf32> to vector<1xf32>
      %squeeze3A_251 = vector.extract %slice3A_250[0] : f32 from vector<1xf32>
      %slice3A_252 = vector.extract_strided_slice %get3A_96 {offsets = [11], sizes = [1], strides = [1]} : vector<16xf32> to vector<1xf32>
      %squeeze3A_253 = vector.extract %slice3A_252[0] : f32 from vector<1xf32>
      %slice3A_254 = vector.extract_strided_slice %get3A_99 {offsets = [11], sizes = [1], strides = [1]} : vector<16xf32> to vector<1xf32>
      %squeeze3A_255 = vector.extract %slice3A_254[0] : f32 from vector<1xf32>
      %slice3A_256 = vector.extract_strided_slice %get3A_93 {offsets = [12], sizes = [1], strides = [1]} : vector<16xf32> to vector<1xf32>
      %squeeze3A_257 = vector.extract %slice3A_256[0] : f32 from vector<1xf32>
      %slice3A_258 = vector.extract_strided_slice %get3A_96 {offsets = [12], sizes = [1], strides = [1]} : vector<16xf32> to vector<1xf32>
      %squeeze3A_259 = vector.extract %slice3A_258[0] : f32 from vector<1xf32>
      %slice3A_260 = vector.extract_strided_slice %get3A_99 {offsets = [12], sizes = [1], strides = [1]} : vector<16xf32> to vector<1xf32>
      %squeeze3A_261 = vector.extract %slice3A_260[0] : f32 from vector<1xf32>
      %slice3A_262 = vector.extract_strided_slice %get3A_93 {offsets = [13], sizes = [1], strides = [1]} : vector<16xf32> to vector<1xf32>
      %squeeze3A_263 = vector.extract %slice3A_262[0] : f32 from vector<1xf32>
      %slice3A_264 = vector.extract_strided_slice %get3A_96 {offsets = [13], sizes = [1], strides = [1]} : vector<16xf32> to vector<1xf32>
      %squeeze3A_265 = vector.extract %slice3A_264[0] : f32 from vector<1xf32>
      %slice3A_266 = vector.extract_strided_slice %get3A_99 {offsets = [13], sizes = [1], strides = [1]} : vector<16xf32> to vector<1xf32>
      %squeeze3A_267 = vector.extract %slice3A_266[0] : f32 from vector<1xf32>
      %slice3A_268 = vector.extract_strided_slice %get3A_93 {offsets = [14], sizes = [1], strides = [1]} : vector<16xf32> to vector<1xf32>
      %squeeze3A_269 = vector.extract %slice3A_268[0] : f32 from vector<1xf32>
      %slice3A_270 = vector.extract_strided_slice %get3A_96 {offsets = [14], sizes = [1], strides = [1]} : vector<16xf32> to vector<1xf32>
      %squeeze3A_271 = vector.extract %slice3A_270[0] : f32 from vector<1xf32>
      %slice3A_272 = vector.extract_strided_slice %get3A_99 {offsets = [14], sizes = [1], strides = [1]} : vector<16xf32> to vector<1xf32>
      %squeeze3A_273 = vector.extract %slice3A_272[0] : f32 from vector<1xf32>
      %slice3A_274 = vector.extract_strided_slice %get3A_93 {offsets = [15], sizes = [1], strides = [1]} : vector<16xf32> to vector<1xf32>
      %squeeze3A_275 = vector.extract %slice3A_274[0] : f32 from vector<1xf32>
      %slice3A_276 = vector.extract_strided_slice %get3A_96 {offsets = [15], sizes = [1], strides = [1]} : vector<16xf32> to vector<1xf32>
      %squeeze3A_277 = vector.extract %slice3A_276[0] : f32 from vector<1xf32>
      %slice3A_278 = vector.extract_strided_slice %get3A_99 {offsets = [15], sizes = [1], strides = [1]} : vector<16xf32> to vector<1xf32>
      %squeeze3A_279 = vector.extract %slice3A_278[0] : f32 from vector<1xf32>
      %broadcast_in_dim3A_280 = arith.constant 3.000000e+38 : f32
      %broadcast_in_dim3A_281 = vector.broadcast %broadcast_in_dim3A_280 : f32 to vector<16xf32>
      %scan3A_282 = arith.constant 0 : i32
      %scan3A_283 = arith.constant 128 : i32
      %scan3A_284 = arith.addi %scan3A_282, %scan3A_283 : i32
      %scan3A_285 = arith.constant 1 : i32
      %scan3A_286:8 = scf.for %scan3A_368 = %scan3A_282 to %scan3A_284 step %scan3A_285 iter_args(%scan3A_369 = %broadcast_in_dim3A_281, %scan3A_370 = %broadcast_in_dim3A_281, %scan3A_371 = %broadcast_in_dim3A_281, %scan3A_372 = %broadcast_in_dim3A_281, %scan3A_373 = %broadcast_in_dim3A_281, %scan3A_374 = %broadcast_in_dim3A_281, %scan3A_375 = %broadcast_in_dim3A_281, %scan3A_376 = %broadcast_in_dim3A_281) -> (vector<16xf32>, vector<16xf32>, vector<16xf32>, vector<16xf32>, vector<16xf32>, vector<16xf32>, vector<16xf32>, vector<16xf32>)  : i32 {
        %mul3A_377 = arith.constant 16 : i32
        %mul3A_378 = arith.muli %scan3A_368, %mul3A_377 : i32
        %get3A_379 = arith.index_cast %mul3A_378 : i32 to index
        %get3A_380 = tpu.vector_load %arg9[%get3A_379] {strides = array<i32>} : memref<2048xf32, #tpu.memory_space<vmem>>, vector<16xf32>,
        %get3A_381 = vector.shape_cast %get3A_380 : vector<16xf32> to vector<16xf32>
        %get3A_382 = arith.index_cast %mul3A_378 : i32 to index
        %get3A_383 = tpu.vector_load %arg10[%get3A_382] {strides = array<i32>} : memref<2048xf32, #tpu.memory_space<vmem>>, vector<16xf32>,
        %get3A_384 = vector.shape_cast %get3A_383 : vector<16xf32> to vector<16xf32>
        %get3A_385 = arith.index_cast %mul3A_378 : i32 to index
        %get3A_386 = tpu.vector_load %arg11[%get3A_385] {strides = array<i32>} : memref<2048xf32, #tpu.memory_space<vmem>>, vector<16xf32>,
        %get3A_387 = vector.shape_cast %get3A_386 : vector<16xf32> to vector<16xf32>
        %sub3A_388 = vector.broadcast %squeeze3A_233 : f32 to vector<16xf32>
        %sub3A_389 = arith.subf %get3A_381, %sub3A_388 : vector<16xf32>
        %sub3A_390 = vector.broadcast %squeeze3A_235 : f32 to vector<16xf32>
        %sub3A_391 = arith.subf %get3A_384, %sub3A_390 : vector<16xf32>
        %sub3A_392 = vector.broadcast %squeeze3A_237 : f32 to vector<16xf32>
        %sub3A_393 = arith.subf %get3A_387, %sub3A_392 : vector<16xf32>
        %mul3A_394 = arith.mulf %sub3A_389, %sub3A_389 : vector<16xf32>
        %mul3A_395 = arith.mulf %sub3A_391, %sub3A_391 : vector<16xf32>
        %add3A_396 = arith.addf %mul3A_394, %mul3A_395 : vector<16xf32>
        %mul3A_397 = arith.mulf %sub3A_393, %sub3A_393 : vector<16xf32>
        %add3A_398 = arith.addf %add3A_396, %mul3A_397 : vector<16xf32>
        %min3A = arith.minimumf %scan3A_369, %add3A_398 : vector<16xf32>
        %sub3A_399 = vector.broadcast %squeeze3A_239 : f32 to vector<16xf32>
        %sub3A_400 = arith.subf %get3A_381, %sub3A_399 : vector<16xf32>
        %sub3A_401 = vector.broadcast %squeeze3A_241 : f32 to vector<16xf32>
        %sub3A_402 = arith.subf %get3A_384, %sub3A_401 : vector<16xf32>
        %sub3A_403 = vector.broadcast %squeeze3A_243 : f32 to vector<16xf32>
        %sub3A_404 = arith.subf %get3A_387, %sub3A_403 : vector<16xf32>
        %mul3A_405 = arith.mulf %sub3A_400, %sub3A_400 : vector<16xf32>
        %mul3A_406 = arith.mulf %sub3A_402, %sub3A_402 : vector<16xf32>
        %add3A_407 = arith.addf %mul3A_405, %mul3A_406 : vector<16xf32>
        %mul3A_408 = arith.mulf %sub3A_404, %sub3A_404 : vector<16xf32>
        %add3A_409 = arith.addf %add3A_407, %mul3A_408 : vector<16xf32>
        %min3A_410 = arith.minimumf %scan3A_370, %add3A_409 : vector<16xf32>
        %min3A_411 = arith.minimumf %add3A_398, %add3A_409 : vector<16xf32>
        %sub3A_412 = vector.broadcast %squeeze3A_245 : f32 to vector<16xf32>
        %sub3A_413 = arith.subf %get3A_381, %sub3A_412 : vector<16xf32>
        %sub3A_414 = vector.broadcast %squeeze3A_247 : f32 to vector<16xf32>
        %sub3A_415 = arith.subf %get3A_384, %sub3A_414 : vector<16xf32>
        %sub3A_416 = vector.broadcast %squeeze3A_249 : f32 to vector<16xf32>
        %sub3A_417 = arith.subf %get3A_387, %sub3A_416 : vector<16xf32>
        %mul3A_418 = arith.mulf %sub3A_413, %sub3A_413 : vector<16xf32>
        %mul3A_419 = arith.mulf %sub3A_415, %sub3A_415 : vector<16xf32>
        %add3A_420 = arith.addf %mul3A_418, %mul3A_419 : vector<16xf32>
        %mul3A_421 = arith.mulf %sub3A_417, %sub3A_417 : vector<16xf32>
        %add3A_422 = arith.addf %add3A_420, %mul3A_421 : vector<16xf32>
        %min3A_423 = arith.minimumf %scan3A_371, %add3A_422 : vector<16xf32>
        %min3A_424 = arith.minimumf %min3A_411, %add3A_422 : vector<16xf32>
        %sub3A_425 = vector.broadcast %squeeze3A_251 : f32 to vector<16xf32>
        %sub3A_426 = arith.subf %get3A_381, %sub3A_425 : vector<16xf32>
        %sub3A_427 = vector.broadcast %squeeze3A_253 : f32 to vector<16xf32>
        %sub3A_428 = arith.subf %get3A_384, %sub3A_427 : vector<16xf32>
        %sub3A_429 = vector.broadcast %squeeze3A_255 : f32 to vector<16xf32>
        %sub3A_430 = arith.subf %get3A_387, %sub3A_429 : vector<16xf32>
        %mul3A_431 = arith.mulf %sub3A_426, %sub3A_426 : vector<16xf32>
        %mul3A_432 = arith.mulf %sub3A_428, %sub3A_428 : vector<16xf32>
        %add3A_433 = arith.addf %mul3A_431, %mul3A_432 : vector<16xf32>
        %mul3A_434 = arith.mulf %sub3A_430, %sub3A_430 : vector<16xf32>
        %add3A_435 = arith.addf %add3A_433, %mul3A_434 : vector<16xf32>
        %min3A_436 = arith.minimumf %scan3A_372, %add3A_435 : vector<16xf32>
        %min3A_437 = arith.minimumf %min3A_424, %add3A_435 : vector<16xf32>
        %sub3A_438 = vector.broadcast %squeeze3A_257 : f32 to vector<16xf32>
        %sub3A_439 = arith.subf %get3A_381, %sub3A_438 : vector<16xf32>
        %sub3A_440 = vector.broadcast %squeeze3A_259 : f32 to vector<16xf32>
        %sub3A_441 = arith.subf %get3A_384, %sub3A_440 : vector<16xf32>
        %sub3A_442 = vector.broadcast %squeeze3A_261 : f32 to vector<16xf32>
        %sub3A_443 = arith.subf %get3A_387, %sub3A_442 : vector<16xf32>
        %mul3A_444 = arith.mulf %sub3A_439, %sub3A_439 : vector<16xf32>
        %mul3A_445 = arith.mulf %sub3A_441, %sub3A_441 : vector<16xf32>
        %add3A_446 = arith.addf %mul3A_444, %mul3A_445 : vector<16xf32>
        %mul3A_447 = arith.mulf %sub3A_443, %sub3A_443 : vector<16xf32>
        %add3A_448 = arith.addf %add3A_446, %mul3A_447 : vector<16xf32>
        %min3A_449 = arith.minimumf %scan3A_373, %add3A_448 : vector<16xf32>
        %min3A_450 = arith.minimumf %min3A_437, %add3A_448 : vector<16xf32>
        %sub3A_451 = vector.broadcast %squeeze3A_263 : f32 to vector<16xf32>
        %sub3A_452 = arith.subf %get3A_381, %sub3A_451 : vector<16xf32>
        %sub3A_453 = vector.broadcast %squeeze3A_265 : f32 to vector<16xf32>
        %sub3A_454 = arith.subf %get3A_384, %sub3A_453 : vector<16xf32>
        %sub3A_455 = vector.broadcast %squeeze3A_267 : f32 to vector<16xf32>
        %sub3A_456 = arith.subf %get3A_387, %sub3A_455 : vector<16xf32>
        %mul3A_457 = arith.mulf %sub3A_452, %sub3A_452 : vector<16xf32>
        %mul3A_458 = arith.mulf %sub3A_454, %sub3A_454 : vector<16xf32>
        %add3A_459 = arith.addf %mul3A_457, %mul3A_458 : vector<16xf32>
        %mul3A_460 = arith.mulf %sub3A_456, %sub3A_456 : vector<16xf32>
        %add3A_461 = arith.addf %add3A_459, %mul3A_460 : vector<16xf32>
        %min3A_462 = arith.minimumf %scan3A_374, %add3A_461 : vector<16xf32>
        %min3A_463 = arith.minimumf %min3A_450, %add3A_461 : vector<16xf32>
        %sub3A_464 = vector.broadcast %squeeze3A_269 : f32 to vector<16xf32>
        %sub3A_465 = arith.subf %get3A_381, %sub3A_464 : vector<16xf32>
        %sub3A_466 = vector.broadcast %squeeze3A_271 : f32 to vector<16xf32>
        %sub3A_467 = arith.subf %get3A_384, %sub3A_466 : vector<16xf32>
        %sub3A_468 = vector.broadcast %squeeze3A_273 : f32 to vector<16xf32>
        %sub3A_469 = arith.subf %get3A_387, %sub3A_468 : vector<16xf32>
        %mul3A_470 = arith.mulf %sub3A_465, %sub3A_465 : vector<16xf32>
        %mul3A_471 = arith.mulf %sub3A_467, %sub3A_467 : vector<16xf32>
        %add3A_472 = arith.addf %mul3A_470, %mul3A_471 : vector<16xf32>
        %mul3A_473 = arith.mulf %sub3A_469, %sub3A_469 : vector<16xf32>
        %add3A_474 = arith.addf %add3A_472, %mul3A_473 : vector<16xf32>
        %min3A_475 = arith.minimumf %scan3A_375, %add3A_474 : vector<16xf32>
        %min3A_476 = arith.minimumf %min3A_463, %add3A_474 : vector<16xf32>
        %sub3A_477 = vector.broadcast %squeeze3A_275 : f32 to vector<16xf32>
        %sub3A_478 = arith.subf %get3A_381, %sub3A_477 : vector<16xf32>
        %sub3A_479 = vector.broadcast %squeeze3A_277 : f32 to vector<16xf32>
        %sub3A_480 = arith.subf %get3A_384, %sub3A_479 : vector<16xf32>
        %sub3A_481 = vector.broadcast %squeeze3A_279 : f32 to vector<16xf32>
        %sub3A_482 = arith.subf %get3A_387, %sub3A_481 : vector<16xf32>
        %mul3A_483 = arith.mulf %sub3A_478, %sub3A_478 : vector<16xf32>
        %mul3A_484 = arith.mulf %sub3A_480, %sub3A_480 : vector<16xf32>
        %add3A_485 = arith.addf %mul3A_483, %mul3A_484 : vector<16xf32>
        %mul3A_486 = arith.mulf %sub3A_482, %sub3A_482 : vector<16xf32>
        %add3A_487 = arith.addf %add3A_485, %mul3A_486 : vector<16xf32>
        %min3A_488 = arith.minimumf %scan3A_376, %add3A_487 : vector<16xf32>
        %min3A_489 = arith.minimumf %min3A_476, %add3A_487 : vector<16xf32>
        %get3A_490 = arith.index_cast %mul3A_378 : i32 to index
        %get3A_491 = tpu.vector_load %arg13[%get3A_490] {strides = array<i32>} : memref<2048xf32, #tpu.memory_space<vmem>>, vector<16xf32>,
        %get3A_492 = vector.shape_cast %get3A_491 : vector<16xf32> to vector<16xf32>
        %min3A_493 = arith.minimumf %get3A_492, %min3A_489 : vector<16xf32>
        %swap3A_494 = arith.index_cast %mul3A_378 : i32 to index
        %swap3A_495 = tpu.vector_load %arg13[%swap3A_494] {strides = array<i32>} : memref<2048xf32, #tpu.memory_space<vmem>>, vector<16xf32>,
        %swap3A_496 = vector.shape_cast %swap3A_495 : vector<16xf32> to vector<16xf32>
        %swap3A_497 = vector.shape_cast %min3A_493 : vector<16xf32> to vector<16xf32>
        tpu.vector_store %arg13[%swap3A_494], %swap3A_497 {strides = array<i32>} : memref<2048xf32, #tpu.memory_space<vmem>>, vector<16xf32>,
        scf.yield %min3A, %min3A_410, %min3A_423, %min3A_436, %min3A_449, %min3A_462, %min3A_475, %min3A_488 : vector<16xf32>, vector<16xf32>, vector<16xf32>, vector<16xf32>, vector<16xf32>, vector<16xf32>, vector<16xf32>, vector<16xf32>
      }
      %scan3A_287 = arith.constant 128 : i32
      %add3A_288 = arith.constant 8 : i32
      %add3A_289 = arith.addi %mul3A_91, %add3A_288 : i32
      %add3A_290 = arith.constant 0 : i32
      %add3A_291 = arith.addi %add3A_289, %add3A_290 : i32
      %mul3A_292 = arith.constant 16 : i32
      %mul3A_293 = arith.muli %add3A_291, %mul3A_292 : i32
      %swap3A_294 = arith.index_cast %mul3A_293 : i32 to index
      %swap3A_295 = tpu.vector_load %arg12[%swap3A_294] {strides = array<i32>} : memref<2048xf32, #tpu.memory_space<vmem>>, vector<16xf32>,
      %swap3A_296 = vector.shape_cast %swap3A_295 : vector<16xf32> to vector<16xf32>
      %swap3A_297 = vector.shape_cast %scan3A_286#0 : vector<16xf32> to vector<16xf32>
      tpu.vector_store %arg12[%swap3A_294], %swap3A_297 {strides = array<i32>} : memref<2048xf32, #tpu.memory_space<vmem>>, vector<16xf32>,
      %add3A_298 = arith.constant 8 : i32
      %add3A_299 = arith.addi %mul3A_91, %add3A_298 : i32
      %add3A_300 = arith.constant 1 : i32
      %add3A_301 = arith.addi %add3A_299, %add3A_300 : i32
      %mul3A_302 = arith.constant 16 : i32
      %mul3A_303 = arith.muli %add3A_301, %mul3A_302 : i32
      %swap3A_304 = arith.index_cast %mul3A_303 : i32 to index
      %swap3A_305 = tpu.vector_load %arg12[%swap3A_304] {strides = array<i32>} : memref<2048xf32, #tpu.memory_space<vmem>>, vector<16xf32>,
      %swap3A_306 = vector.shape_cast %swap3A_305 : vector<16xf32> to vector<16xf32>
      %swap3A_307 = vector.shape_cast %scan3A_286#1 : vector<16xf32> to vector<16xf32>
      tpu.vector_store %arg12[%swap3A_304], %swap3A_307 {strides = array<i32>} : memref<2048xf32, #tpu.memory_space<vmem>>, vector<16xf32>,
      %add3A_308 = arith.constant 8 : i32
      %add3A_309 = arith.addi %mul3A_91, %add3A_308 : i32
      %add3A_310 = arith.constant 2 : i32
      %add3A_311 = arith.addi %add3A_309, %add3A_310 : i32
      %mul3A_312 = arith.constant 16 : i32
      %mul3A_313 = arith.muli %add3A_311, %mul3A_312 : i32
      %swap3A_314 = arith.index_cast %mul3A_313 : i32 to index
      %swap3A_315 = tpu.vector_load %arg12[%swap3A_314] {strides = array<i32>} : memref<2048xf32, #tpu.memory_space<vmem>>, vector<16xf32>,
      %swap3A_316 = vector.shape_cast %swap3A_315 : vector<16xf32> to vector<16xf32>
      %swap3A_317 = vector.shape_cast %scan3A_286#2 : vector<16xf32> to vector<16xf32>
      tpu.vector_store %arg12[%swap3A_314], %swap3A_317 {strides = array<i32>} : memref<2048xf32, #tpu.memory_space<vmem>>, vector<16xf32>,
      %add3A_318 = arith.constant 8 : i32
      %add3A_319 = arith.addi %mul3A_91, %add3A_318 : i32
      %add3A_320 = arith.constant 3 : i32
      %add3A_321 = arith.addi %add3A_319, %add3A_320 : i32
      %mul3A_322 = arith.constant 16 : i32
      %mul3A_323 = arith.muli %add3A_321, %mul3A_322 : i32
      %swap3A_324 = arith.index_cast %mul3A_323 : i32 to index
      %swap3A_325 = tpu.vector_load %arg12[%swap3A_324] {strides = array<i32>} : memref<2048xf32, #tpu.memory_space<vmem>>, vector<16xf32>,
      %swap3A_326 = vector.shape_cast %swap3A_325 : vector<16xf32> to vector<16xf32>
      %swap3A_327 = vector.shape_cast %scan3A_286#3 : vector<16xf32> to vector<16xf32>
      tpu.vector_store %arg12[%swap3A_324], %swap3A_327 {strides = array<i32>} : memref<2048xf32, #tpu.memory_space<vmem>>, vector<16xf32>,
      %add3A_328 = arith.constant 8 : i32
      %add3A_329 = arith.addi %mul3A_91, %add3A_328 : i32
      %add3A_330 = arith.constant 4 : i32
      %add3A_331 = arith.addi %add3A_329, %add3A_330 : i32
      %mul3A_332 = arith.constant 16 : i32
      %mul3A_333 = arith.muli %add3A_331, %mul3A_332 : i32
      %swap3A_334 = arith.index_cast %mul3A_333 : i32 to index
      %swap3A_335 = tpu.vector_load %arg12[%swap3A_334] {strides = array<i32>} : memref<2048xf32, #tpu.memory_space<vmem>>, vector<16xf32>,
      %swap3A_336 = vector.shape_cast %swap3A_335 : vector<16xf32> to vector<16xf32>
      %swap3A_337 = vector.shape_cast %scan3A_286#4 : vector<16xf32> to vector<16xf32>
      tpu.vector_store %arg12[%swap3A_334], %swap3A_337 {strides = array<i32>} : memref<2048xf32, #tpu.memory_space<vmem>>, vector<16xf32>,
      %add3A_338 = arith.constant 8 : i32
      %add3A_339 = arith.addi %mul3A_91, %add3A_338 : i32
      %add3A_340 = arith.constant 5 : i32
      %add3A_341 = arith.addi %add3A_339, %add3A_340 : i32
      %mul3A_342 = arith.constant 16 : i32
      %mul3A_343 = arith.muli %add3A_341, %mul3A_342 : i32
      %swap3A_344 = arith.index_cast %mul3A_343 : i32 to index
      %swap3A_345 = tpu.vector_load %arg12[%swap3A_344] {strides = array<i32>} : memref<2048xf32, #tpu.memory_space<vmem>>, vector<16xf32>,
      %swap3A_346 = vector.shape_cast %swap3A_345 : vector<16xf32> to vector<16xf32>
      %swap3A_347 = vector.shape_cast %scan3A_286#5 : vector<16xf32> to vector<16xf32>
      tpu.vector_store %arg12[%swap3A_344], %swap3A_347 {strides = array<i32>} : memref<2048xf32, #tpu.memory_space<vmem>>, vector<16xf32>,
      %add3A_348 = arith.constant 8 : i32
      %add3A_349 = arith.addi %mul3A_91, %add3A_348 : i32
      %add3A_350 = arith.constant 6 : i32
      %add3A_351 = arith.addi %add3A_349, %add3A_350 : i32
      %mul3A_352 = arith.constant 16 : i32
      %mul3A_353 = arith.muli %add3A_351, %mul3A_352 : i32
      %swap3A_354 = arith.index_cast %mul3A_353 : i32 to index
      %swap3A_355 = tpu.vector_load %arg12[%swap3A_354] {strides = array<i32>} : memref<2048xf32, #tpu.memory_space<vmem>>, vector<16xf32>,
      %swap3A_356 = vector.shape_cast %swap3A_355 : vector<16xf32> to vector<16xf32>
      %swap3A_357 = vector.shape_cast %scan3A_286#6 : vector<16xf32> to vector<16xf32>
      tpu.vector_store %arg12[%swap3A_354], %swap3A_357 {strides = array<i32>} : memref<2048xf32, #tpu.memory_space<vmem>>, vector<16xf32>,
      %add3A_358 = arith.constant 8 : i32
      %add3A_359 = arith.addi %mul3A_91, %add3A_358 : i32
      %add3A_360 = arith.constant 7 : i32
      %add3A_361 = arith.addi %add3A_359, %add3A_360 : i32
      %mul3A_362 = arith.constant 16 : i32
      %mul3A_363 = arith.muli %add3A_361, %mul3A_362 : i32
      %swap3A_364 = arith.index_cast %mul3A_363 : i32 to index
      %swap3A_365 = tpu.vector_load %arg12[%swap3A_364] {strides = array<i32>} : memref<2048xf32, #tpu.memory_space<vmem>>, vector<16xf32>,
      %swap3A_366 = vector.shape_cast %swap3A_365 : vector<16xf32> to vector<16xf32>
      %swap3A_367 = vector.shape_cast %scan3A_286#7 : vector<16xf32> to vector<16xf32>
      tpu.vector_store %arg12[%swap3A_364], %swap3A_367 {strides = array<i32>} : memref<2048xf32, #tpu.memory_space<vmem>>, vector<16xf32>,
    }
    %scan3A_82 = arith.constant 8 : i32
    %mul3A_83 = arith.constant 128 : i32
    %mul3A_84 = arith.muli %add3A, %mul3A_83 : i32
    %mul3A_85 = arith.constant 16 : i32
    %mul3A_86 = arith.muli %mul3A_84, %mul3A_85 : i32
    "tpu.region"() ({
      %run_scoped3A = tpu.sem_alloc : memref<!tpu.dma_semaphore, #tpu.memory_space<semaphore_mem>>
      %dma_start3A = tpu.memref_slice %arg4[%mul3A_86] : memref<65536xf32, #tpu.memory_space<hbm>> -> memref<2048xf32, #tpu.memory_space<hbm>>
      %dma_start3A_89 = tpu.memref_slice %arg4[%mul3A_86] : memref<65536xf32, #tpu.memory_space<hbm>> -> memref<2048xf32, #tpu.memory_space<hbm>>
      tpu.enqueue_dma source(%arg12 : memref<2048xf32, #tpu.memory_space<vmem>>) target(%dma_start3A_89 : memref<2048xf32, #tpu.memory_space<hbm>>) target_semaphore(%run_scoped3A : memref<!tpu.dma_semaphore, #tpu.memory_space<semaphore_mem>>)
      %dma_wait3A = tpu.memref_slice %arg4[%mul3A_86] : memref<65536xf32, #tpu.memory_space<hbm>> -> memref<2048xf32, #tpu.memory_space<hbm>>
      %dma_wait3A_90 = tpu.memref_slice %arg4[%mul3A_86] : memref<65536xf32, #tpu.memory_space<hbm>> -> memref<2048xf32, #tpu.memory_space<hbm>>
      tpu.wait_dma2 semaphore(%run_scoped3A : memref<!tpu.dma_semaphore, #tpu.memory_space<semaphore_mem>>) src(%arg12 : memref<2048xf32, #tpu.memory_space<vmem>>) dst(%dma_wait3A_90 : memref<2048xf32, #tpu.memory_space<hbm>>)
      tpu.yield
    }) : () -> ()
    %mul3A_87 = arith.constant 2048 : i32
    %mul3A_88 = arith.muli %add3A, %mul3A_87 : i32
    "tpu.region"() ({
      %run_scoped3A = tpu.sem_alloc : memref<!tpu.dma_semaphore, #tpu.memory_space<semaphore_mem>>
      %dma_start3A = tpu.memref_slice %arg5[%mul3A_88] : memref<65536xf32, #tpu.memory_space<hbm>> -> memref<2048xf32, #tpu.memory_space<hbm>>
      %dma_start3A_89 = tpu.memref_slice %arg5[%mul3A_88] : memref<65536xf32, #tpu.memory_space<hbm>> -> memref<2048xf32, #tpu.memory_space<hbm>>
      tpu.enqueue_dma source(%arg13 : memref<2048xf32, #tpu.memory_space<vmem>>) target(%dma_start3A_89 : memref<2048xf32, #tpu.memory_space<hbm>>) target_semaphore(%run_scoped3A : memref<!tpu.dma_semaphore, #tpu.memory_space<semaphore_mem>>)
      %dma_wait3A = tpu.memref_slice %arg5[%mul3A_88] : memref<65536xf32, #tpu.memory_space<hbm>> -> memref<2048xf32, #tpu.memory_space<hbm>>
      %dma_wait3A_90 = tpu.memref_slice %arg5[%mul3A_88] : memref<65536xf32, #tpu.memory_space<hbm>> -> memref<2048xf32, #tpu.memory_space<hbm>>
      tpu.wait_dma2 semaphore(%run_scoped3A : memref<!tpu.dma_semaphore, #tpu.memory_space<semaphore_mem>>) src(%arg13 : memref<2048xf32, #tpu.memory_space<vmem>>) dst(%dma_wait3A_90 : memref<2048xf32, #tpu.memory_space<hbm>>)
      tpu.yield
    }) : () -> ()
    return
  }
}

module attributes {stable_mosaic.version = 14 : i64} {
  func.func @_tc_body(%arg0: i32, %arg1: memref<1x2048x3xf32, #tpu.memory_space<vmem>>, %arg2: memref<1x3x2048xf32, #tpu.memory_space<vmem>>, %arg3: memref<1x1x1xf32, #tpu.memory_space<vmem>>, %arg4: memref<1x1x1xf32, #tpu.memory_space<vmem>>) attributes {dimension_semantics = [#tpu.dimension_semantics<arbitrary>], iteration_bounds = array<i64: 6>, scalar_prefetch = 0 : i64, scratch_operands = 0 : i64, tpu.core_type = #tpu.core_type<tc>, window_params = [{transform_indices = @transform_0, window_bounds = array<i64: 1, 2048, 3>}, {transform_indices = @transform_1, window_bounds = array<i64: 1, 3, 2048>}, {transform_indices = @transform_2, window_bounds = array<i64: 1, 1, 1>}, {transform_indices = @transform_3, window_bounds = array<i64: 1, 1, 1>}]} {
    %get3A = arith.constant 0 : index
    %get3A_0 = arith.constant 0 : index
    %get3A_1 = arith.constant 0 : index
    %get3A_2 = vector.load %arg1[%get3A, %get3A_0, %get3A_1] : memref<1x2048x3xf32, #tpu.memory_space<vmem>>, vector<1x2048x3xf32>
    %get3A_3 = vector.shape_cast %get3A_2 : vector<1x2048x3xf32> to vector<2048x3xf32>
    %get3A_4 = arith.constant 0 : index
    %get3A_5 = arith.constant 0 : index
    %get3A_6 = arith.constant 0 : index
    %get3A_7 = vector.load %arg2[%get3A_4, %get3A_5, %get3A_6] : memref<1x3x2048xf32, #tpu.memory_space<vmem>>, vector<1x3x2048xf32>
    %get3A_8 = vector.shape_cast %get3A_7 : vector<1x3x2048xf32> to vector<3x2048xf32>
    %slice3A = vector.extract_strided_slice %get3A_3 {offsets = [0, 0], sizes = [2048, 1], strides = [1, 1]} : vector<2048x3xf32> to vector<2048x1xf32>
    %slice3A_9 = vector.extract_strided_slice %get3A_3 {offsets = [0, 1], sizes = [2048, 1], strides = [1, 1]} : vector<2048x3xf32> to vector<2048x1xf32>
    %slice3A_10 = vector.extract_strided_slice %get3A_3 {offsets = [0, 2], sizes = [2048, 1], strides = [1, 1]} : vector<2048x3xf32> to vector<2048x1xf32>
    %slice3A_11 = vector.extract_strided_slice %get3A_8 {offsets = [0, 0], sizes = [1, 512], strides = [1, 1]} : vector<3x2048xf32> to vector<1x512xf32>
    %slice3A_12 = vector.extract_strided_slice %get3A_8 {offsets = [1, 0], sizes = [1, 512], strides = [1, 1]} : vector<3x2048xf32> to vector<1x512xf32>
    %slice3A_13 = vector.extract_strided_slice %get3A_8 {offsets = [2, 0], sizes = [1, 512], strides = [1, 1]} : vector<3x2048xf32> to vector<1x512xf32>
    %sub3A = vector.broadcast %slice3A : vector<2048x1xf32> to vector<2048x512xf32>
    %sub3A_14 = vector.broadcast %slice3A_11 : vector<1x512xf32> to vector<2048x512xf32>
    %sub3A_15 = arith.subf %sub3A, %sub3A_14 : vector<2048x512xf32>
    %sub3A_16 = vector.broadcast %slice3A_9 : vector<2048x1xf32> to vector<2048x512xf32>
    %sub3A_17 = vector.broadcast %slice3A_12 : vector<1x512xf32> to vector<2048x512xf32>
    %sub3A_18 = arith.subf %sub3A_16, %sub3A_17 : vector<2048x512xf32>
    %sub3A_19 = vector.broadcast %slice3A_10 : vector<2048x1xf32> to vector<2048x512xf32>
    %sub3A_20 = vector.broadcast %slice3A_13 : vector<1x512xf32> to vector<2048x512xf32>
    %sub3A_21 = arith.subf %sub3A_19, %sub3A_20 : vector<2048x512xf32>
    %mul3A = arith.mulf %sub3A_15, %sub3A_15 : vector<2048x512xf32>
    %mul3A_22 = arith.mulf %sub3A_18, %sub3A_18 : vector<2048x512xf32>
    %add3A = arith.addf %mul3A, %mul3A_22 : vector<2048x512xf32>
    %mul3A_23 = arith.mulf %sub3A_21, %sub3A_21 : vector<2048x512xf32>
    %add3A_24 = arith.addf %add3A, %mul3A_23 : vector<2048x512xf32>
    %reduce_min3A = arith.constant dense<0x7F800000> : vector<2048xf32>
    %reduce_min3A_25 = vector.multi_reduction <minimumf>, %add3A_24, %reduce_min3A [1] : vector<2048x512xf32> to vector<2048xf32>
    %broadcast_in_dim3A = vector.shape_cast %reduce_min3A_25 : vector<2048xf32> to vector<2048x1xf32>
    %reduce_min3A_26 = arith.constant dense<0x7F800000> : vector<512xf32>
    %reduce_min3A_27 = vector.multi_reduction <minimumf>, %add3A_24, %reduce_min3A_26 [0] : vector<2048x512xf32> to vector<512xf32>
    %reduce_sum3A = vector.shape_cast %reduce_min3A_27 : vector<512xf32> to vector<1x512xf32>
    %reduce_sum3A_28 = arith.constant dense<0.000000e+00> : vector<1xf32>
    %reduce_sum3A_29 = vector.multi_reduction <add>, %reduce_sum3A, %reduce_sum3A_28 [1] : vector<1x512xf32> to vector<1xf32>
    %reduce_sum3A_30 = vector.shape_cast %reduce_sum3A_29 : vector<1xf32> to vector<1x1xf32>
    %reduce_sum3A_31 = vector.extract %reduce_sum3A_30[0, 0] : f32 from vector<1x1xf32>
    %slice3A_32 = vector.extract_strided_slice %get3A_8 {offsets = [0, 512], sizes = [1, 512], strides = [1, 1]} : vector<3x2048xf32> to vector<1x512xf32>
    %slice3A_33 = vector.extract_strided_slice %get3A_8 {offsets = [1, 512], sizes = [1, 512], strides = [1, 1]} : vector<3x2048xf32> to vector<1x512xf32>
    %slice3A_34 = vector.extract_strided_slice %get3A_8 {offsets = [2, 512], sizes = [1, 512], strides = [1, 1]} : vector<3x2048xf32> to vector<1x512xf32>
    %sub3A_35 = vector.broadcast %slice3A : vector<2048x1xf32> to vector<2048x512xf32>
    %sub3A_36 = vector.broadcast %slice3A_32 : vector<1x512xf32> to vector<2048x512xf32>
    %sub3A_37 = arith.subf %sub3A_35, %sub3A_36 : vector<2048x512xf32>
    %sub3A_38 = vector.broadcast %slice3A_9 : vector<2048x1xf32> to vector<2048x512xf32>
    %sub3A_39 = vector.broadcast %slice3A_33 : vector<1x512xf32> to vector<2048x512xf32>
    %sub3A_40 = arith.subf %sub3A_38, %sub3A_39 : vector<2048x512xf32>
    %sub3A_41 = vector.broadcast %slice3A_10 : vector<2048x1xf32> to vector<2048x512xf32>
    %sub3A_42 = vector.broadcast %slice3A_34 : vector<1x512xf32> to vector<2048x512xf32>
    %sub3A_43 = arith.subf %sub3A_41, %sub3A_42 : vector<2048x512xf32>
    %mul3A_44 = arith.mulf %sub3A_37, %sub3A_37 : vector<2048x512xf32>
    %mul3A_45 = arith.mulf %sub3A_40, %sub3A_40 : vector<2048x512xf32>
    %add3A_46 = arith.addf %mul3A_44, %mul3A_45 : vector<2048x512xf32>
    %mul3A_47 = arith.mulf %sub3A_43, %sub3A_43 : vector<2048x512xf32>
    %add3A_48 = arith.addf %add3A_46, %mul3A_47 : vector<2048x512xf32>
    %reduce_min3A_49 = arith.constant dense<0x7F800000> : vector<2048xf32>
    %reduce_min3A_50 = vector.multi_reduction <minimumf>, %add3A_48, %reduce_min3A_49 [1] : vector<2048x512xf32> to vector<2048xf32>
    %broadcast_in_dim3A_51 = vector.shape_cast %reduce_min3A_50 : vector<2048xf32> to vector<2048x1xf32>
    %min3A = arith.minimumf %broadcast_in_dim3A, %broadcast_in_dim3A_51 : vector<2048x1xf32>
    %reduce_min3A_52 = arith.constant dense<0x7F800000> : vector<512xf32>
    %reduce_min3A_53 = vector.multi_reduction <minimumf>, %add3A_48, %reduce_min3A_52 [0] : vector<2048x512xf32> to vector<512xf32>
    %reduce_sum3A_54 = vector.shape_cast %reduce_min3A_53 : vector<512xf32> to vector<1x512xf32>
    %reduce_sum3A_55 = arith.constant dense<0.000000e+00> : vector<1xf32>
    %reduce_sum3A_56 = vector.multi_reduction <add>, %reduce_sum3A_54, %reduce_sum3A_55 [1] : vector<1x512xf32> to vector<1xf32>
    %reduce_sum3A_57 = vector.shape_cast %reduce_sum3A_56 : vector<1xf32> to vector<1x1xf32>
    %reduce_sum3A_58 = vector.extract %reduce_sum3A_57[0, 0] : f32 from vector<1x1xf32>
    %add3A_59 = arith.addf %reduce_sum3A_31, %reduce_sum3A_58 : f32
    %slice3A_60 = vector.extract_strided_slice %get3A_8 {offsets = [0, 1024], sizes = [1, 512], strides = [1, 1]} : vector<3x2048xf32> to vector<1x512xf32>
    %slice3A_61 = vector.extract_strided_slice %get3A_8 {offsets = [1, 1024], sizes = [1, 512], strides = [1, 1]} : vector<3x2048xf32> to vector<1x512xf32>
    %slice3A_62 = vector.extract_strided_slice %get3A_8 {offsets = [2, 1024], sizes = [1, 512], strides = [1, 1]} : vector<3x2048xf32> to vector<1x512xf32>
    %sub3A_63 = vector.broadcast %slice3A : vector<2048x1xf32> to vector<2048x512xf32>
    %sub3A_64 = vector.broadcast %slice3A_60 : vector<1x512xf32> to vector<2048x512xf32>
    %sub3A_65 = arith.subf %sub3A_63, %sub3A_64 : vector<2048x512xf32>
    %sub3A_66 = vector.broadcast %slice3A_9 : vector<2048x1xf32> to vector<2048x512xf32>
    %sub3A_67 = vector.broadcast %slice3A_61 : vector<1x512xf32> to vector<2048x512xf32>
    %sub3A_68 = arith.subf %sub3A_66, %sub3A_67 : vector<2048x512xf32>
    %sub3A_69 = vector.broadcast %slice3A_10 : vector<2048x1xf32> to vector<2048x512xf32>
    %sub3A_70 = vector.broadcast %slice3A_62 : vector<1x512xf32> to vector<2048x512xf32>
    %sub3A_71 = arith.subf %sub3A_69, %sub3A_70 : vector<2048x512xf32>
    %mul3A_72 = arith.mulf %sub3A_65, %sub3A_65 : vector<2048x512xf32>
    %mul3A_73 = arith.mulf %sub3A_68, %sub3A_68 : vector<2048x512xf32>
    %add3A_74 = arith.addf %mul3A_72, %mul3A_73 : vector<2048x512xf32>
    %mul3A_75 = arith.mulf %sub3A_71, %sub3A_71 : vector<2048x512xf32>
    %add3A_76 = arith.addf %add3A_74, %mul3A_75 : vector<2048x512xf32>
    %reduce_min3A_77 = arith.constant dense<0x7F800000> : vector<2048xf32>
    %reduce_min3A_78 = vector.multi_reduction <minimumf>, %add3A_76, %reduce_min3A_77 [1] : vector<2048x512xf32> to vector<2048xf32>
    %broadcast_in_dim3A_79 = vector.shape_cast %reduce_min3A_78 : vector<2048xf32> to vector<2048x1xf32>
    %min3A_80 = arith.minimumf %min3A, %broadcast_in_dim3A_79 : vector<2048x1xf32>
    %reduce_min3A_81 = arith.constant dense<0x7F800000> : vector<512xf32>
    %reduce_min3A_82 = vector.multi_reduction <minimumf>, %add3A_76, %reduce_min3A_81 [0] : vector<2048x512xf32> to vector<512xf32>
    %reduce_sum3A_83 = vector.shape_cast %reduce_min3A_82 : vector<512xf32> to vector<1x512xf32>
    %reduce_sum3A_84 = arith.constant dense<0.000000e+00> : vector<1xf32>
    %reduce_sum3A_85 = vector.multi_reduction <add>, %reduce_sum3A_83, %reduce_sum3A_84 [1] : vector<1x512xf32> to vector<1xf32>
    %reduce_sum3A_86 = vector.shape_cast %reduce_sum3A_85 : vector<1xf32> to vector<1x1xf32>
    %reduce_sum3A_87 = vector.extract %reduce_sum3A_86[0, 0] : f32 from vector<1x1xf32>
    %add3A_88 = arith.addf %add3A_59, %reduce_sum3A_87 : f32
    %slice3A_89 = vector.extract_strided_slice %get3A_8 {offsets = [0, 1536], sizes = [1, 512], strides = [1, 1]} : vector<3x2048xf32> to vector<1x512xf32>
    %slice3A_90 = vector.extract_strided_slice %get3A_8 {offsets = [1, 1536], sizes = [1, 512], strides = [1, 1]} : vector<3x2048xf32> to vector<1x512xf32>
    %slice3A_91 = vector.extract_strided_slice %get3A_8 {offsets = [2, 1536], sizes = [1, 512], strides = [1, 1]} : vector<3x2048xf32> to vector<1x512xf32>
    %sub3A_92 = vector.broadcast %slice3A : vector<2048x1xf32> to vector<2048x512xf32>
    %sub3A_93 = vector.broadcast %slice3A_89 : vector<1x512xf32> to vector<2048x512xf32>
    %sub3A_94 = arith.subf %sub3A_92, %sub3A_93 : vector<2048x512xf32>
    %sub3A_95 = vector.broadcast %slice3A_9 : vector<2048x1xf32> to vector<2048x512xf32>
    %sub3A_96 = vector.broadcast %slice3A_90 : vector<1x512xf32> to vector<2048x512xf32>
    %sub3A_97 = arith.subf %sub3A_95, %sub3A_96 : vector<2048x512xf32>
    %sub3A_98 = vector.broadcast %slice3A_10 : vector<2048x1xf32> to vector<2048x512xf32>
    %sub3A_99 = vector.broadcast %slice3A_91 : vector<1x512xf32> to vector<2048x512xf32>
    %sub3A_100 = arith.subf %sub3A_98, %sub3A_99 : vector<2048x512xf32>
    %mul3A_101 = arith.mulf %sub3A_94, %sub3A_94 : vector<2048x512xf32>
    %mul3A_102 = arith.mulf %sub3A_97, %sub3A_97 : vector<2048x512xf32>
    %add3A_103 = arith.addf %mul3A_101, %mul3A_102 : vector<2048x512xf32>
    %mul3A_104 = arith.mulf %sub3A_100, %sub3A_100 : vector<2048x512xf32>
    %add3A_105 = arith.addf %add3A_103, %mul3A_104 : vector<2048x512xf32>
    %reduce_min3A_106 = arith.constant dense<0x7F800000> : vector<2048xf32>
    %reduce_min3A_107 = vector.multi_reduction <minimumf>, %add3A_105, %reduce_min3A_106 [1] : vector<2048x512xf32> to vector<2048xf32>
    %broadcast_in_dim3A_108 = vector.shape_cast %reduce_min3A_107 : vector<2048xf32> to vector<2048x1xf32>
    %min3A_109 = arith.minimumf %min3A_80, %broadcast_in_dim3A_108 : vector<2048x1xf32>
    %reduce_min3A_110 = arith.constant dense<0x7F800000> : vector<512xf32>
    %reduce_min3A_111 = vector.multi_reduction <minimumf>, %add3A_105, %reduce_min3A_110 [0] : vector<2048x512xf32> to vector<512xf32>
    %reduce_sum3A_112 = vector.shape_cast %reduce_min3A_111 : vector<512xf32> to vector<1x512xf32>
    %reduce_sum3A_113 = arith.constant dense<0.000000e+00> : vector<1xf32>
    %reduce_sum3A_114 = vector.multi_reduction <add>, %reduce_sum3A_112, %reduce_sum3A_113 [1] : vector<1x512xf32> to vector<1xf32>
    %reduce_sum3A_115 = vector.shape_cast %reduce_sum3A_114 : vector<1xf32> to vector<1x1xf32>
    %reduce_sum3A_116 = vector.extract %reduce_sum3A_115[0, 0] : f32 from vector<1x1xf32>
    %add3A_117 = arith.addf %add3A_88, %reduce_sum3A_116 : f32
    %reduce_sum3A_118 = vector.shape_cast %min3A_109 : vector<2048x1xf32> to vector<1x2048x1xf32>
    %reduce_sum3A_119 = arith.constant dense<0.000000e+00> : vector<1xf32>
    %reduce_sum3A_120 = vector.multi_reduction <add>, %reduce_sum3A_118, %reduce_sum3A_119 [1, 2] : vector<1x2048x1xf32> to vector<1xf32>
    %reduce_sum3A_121 = vector.shape_cast %reduce_sum3A_120 : vector<1xf32> to vector<1x1x1xf32>
    %reduce_sum3A_122 = vector.extract %reduce_sum3A_121[0, 0, 0] : f32 from vector<1x1x1xf32>
    %div3A = arith.constant 2.048000e+03 : f32
    %div3A_123 = arith.divf %reduce_sum3A_122, %div3A : f32
    %sqrt3A = math.sqrt %div3A_123 : f32
    %reshape3A = vector.broadcast %sqrt3A : f32 to vector<1x1xf32>
    %swap3A = arith.constant 0 : index
    %swap3A_124 = arith.constant 0 : index
    %swap3A_125 = arith.constant 0 : index
    %swap3A_126 = vector.load %arg3[%swap3A, %swap3A_124, %swap3A_125] : memref<1x1x1xf32, #tpu.memory_space<vmem>>, vector<1x1x1xf32>
    %swap3A_127 = vector.shape_cast %swap3A_126 : vector<1x1x1xf32> to vector<1x1xf32>
    %swap3A_128 = vector.shape_cast %reshape3A : vector<1x1xf32> to vector<1x1x1xf32>
    tpu.vector_store %arg3[%swap3A, %swap3A_124, %swap3A_125], %swap3A_128 {strides = array<i32>} : memref<1x1x1xf32, #tpu.memory_space<vmem>>, vector<1x1x1xf32>,
    %div3A_129 = arith.constant 2.048000e+03 : f32
    %div3A_130 = arith.divf %add3A_117, %div3A_129 : f32
    %sqrt3A_131 = math.sqrt %div3A_130 : f32
    %reshape3A_132 = vector.broadcast %sqrt3A_131 : f32 to vector<1x1xf32>
    %swap3A_133 = arith.constant 0 : index
    %swap3A_134 = arith.constant 0 : index
    %swap3A_135 = arith.constant 0 : index
    %swap3A_136 = vector.load %arg4[%swap3A_133, %swap3A_134, %swap3A_135] : memref<1x1x1xf32, #tpu.memory_space<vmem>>, vector<1x1x1xf32>
    %swap3A_137 = vector.shape_cast %swap3A_136 : vector<1x1x1xf32> to vector<1x1xf32>
    %swap3A_138 = vector.shape_cast %reshape3A_132 : vector<1x1xf32> to vector<1x1x1xf32>
    tpu.vector_store %arg4[%swap3A_133, %swap3A_134, %swap3A_135], %swap3A_138 {strides = array<i32>} : memref<1x1x1xf32, #tpu.memory_space<vmem>>, vector<1x1x1xf32>,
    return
  }
  func.func @transform_0(%arg0: i32) -> (i32, i32, i32) {
    %c0_i32 = arith.constant 0 : i32
    %c0_i32_0 = arith.constant 0 : i32
    %c0_i32_1 = arith.constant 0 : i32
    return %arg0, %c0_i32, %c0_i32_0 : i32, i32, i32
  }
  func.func @transform_1(%arg0: i32) -> (i32, i32, i32) {
    %c0_i32 = arith.constant 0 : i32
    %c0_i32_0 = arith.constant 0 : i32
    %c0_i32_1 = arith.constant 0 : i32
    return %arg0, %c0_i32, %c0_i32_0 : i32, i32, i32
  }
  func.func @transform_2(%arg0: i32) -> (i32, i32, i32) {
    %c0_i32 = arith.constant 0 : i32
    %c0_i32_0 = arith.constant 0 : i32
    %c0_i32_1 = arith.constant 0 : i32
    return %arg0, %c0_i32, %c0_i32_0 : i32, i32, i32
  }
  func.func @transform_3(%arg0: i32) -> (i32, i32, i32) {
    %c0_i32 = arith.constant 0 : i32
    %c0_i32_0 = arith.constant 0 : i32
    %c0_i32_1 = arith.constant 0 : i32
    return %arg0, %c0_i32, %c0_i32_0 : i32, i32, i32
  }
}

</mosaic_0001>

<sc_bundles>
// kernel: kernel.4.cloned.1.call-start
scs
__scs_entry_jumppad:
0x0: {  	(pc) =	sbr.rel $0x88, $3  }
0x1: {  	(tag) =	ssettag $0x0;
	lr =	simm.s32 $0x1  }
0x2: {  	[smem:$0x3F9F] =	sst lr;
	_ =	strace $0xD0000000  }
0x3: {  	_ = 	snop  }
0x4: {  	_ = 	snop  }
0x5: {  	_ = 	snop  }
0x6: {  	_ = 	snop  }
0x7: {  	_ = 	snop  }
__scs_overlays_trampoline_lowered:
0x8: {  	[smem:$0x3FAE] =	sst s0  }
0x9: {  	[smem:$0x3FAF] =	sst s1  }
0xa: {  	[smem:$0x3FB0] =	sst s2  }
0xb: {  	[smem:$0x3FB1] =	sst s3  }
0xc: {  	[smem:$0x3FB2] =	sst s4  }
0xd: {  	[smem:$0x3FB3] =	sst s5  }
0xe: {  	[smem:$0x3FB4] =	sst s6  }
0xf: {  	[smem:$0x3FB5] =	sst s7  }
0x10: {  	[smem:$0x3FB6] =	sst s8  }
0x11: {  	[smem:$0x3FB7] =	sst s9;
	s0 =	simm.s32 @!p0 $0x0  }
0x12: {  	s1 =	sld [smem:$0x3F9D];
	s0 =	simm.s32 @p0 $0x1  }
0x13: {  	[smem:$0x3FB8] =	sst s0;
	s0 =	simm.s32 @!p1 $0x0  }
0x14: {  	s2 =	sld [smem:$0x3F9C];
	s0 =	simm.s32 @p1 $0x1  }
0x15: {  	[smem:$0x3FB9] =	sst s0;
	s0 =	simm.s32 @!p2 $0x0  }
0x16: {  	s3 =	sld [smem:$0x3FDB];
	s0 =	simm.s32 @p2 $0x1  }
0x17: {  	s4 =	simm.s32 $0x1BF5;
	[smem:$0x3FBB] =	sst s0  }
0x18: {  	s0 =	sld [smem:$0x3F9E];
	_ =	swait.ge [sflag:s4], $0x0  }
0x19: {  	s7 =	sld [smem:$0x3F9F]  }
0x1a: {  	s8 =	sadd.s32 $0xFFFFE003, lr  }
0x1b: {  	s9 =	sadd.s32 $0xFFFFFEF7, lr;
	s5 =	simm.s32 $0xFFFFFFFF;
	p2 =	slt.u32 s8, $0xFFFFF086  }
0x1c: {  	p1 =	slt.u32 s9, $0xF7A;
	s5 =	simm.s32 @!p2 $0x0  }
0x1d: {  	s5 =	simm.s32 @p1 $0x1;
	p0 =	seq.s32 s7, s2  }
0x1e: {  	s7 =	smul.u32 @!p0 $0xF7A, s2;
	p2 =	seq.s32 @!p0 s5, $0x0  }
0x1f: {  	s9 =	smul.u32 $0xF7A, s1;
	s8 =	simm.s32 @!p0 $0x1BF5;
	p2 =	por !p2, p0  }
0x20: {  	[sflag:s8] =	ssyncset.s32 @!p0 $0xFFFFF086;
	s6 =	sadd.s32 @!p0 s3, s7;
	s7 =	simm.s32 @!p0 $0x108  }
0x21: {  	s3 =	sadd.s32 s3, s9;
	s6 =	sadd.s32 @!p0 $0x88, s6;
	s7 =	simm.s32 @p2 $0x1082  }
0x22: {  	[simem:s7], [sflag:s8] =	dma.local @!p0 [hbm:s6], $0xF7A  }
0x23: {  	s9 =	sor.u32 $0xD0000000, s2;
	s6 =	simm.s32 $0x108;
	_ =	swait.ge @!p0 [sflag:s8], $0x0  }
0x24: {  	s3 =	sadd.s32 $0x88, s3;
	s6 =	simm.s32 @!p1 $0x1082;
	[sflag:s4] =	ssyncset.s32 $0xFFFFF086  }
0x25: {  	[simem:s6], [sflag:s4] =	dma.local [hbm:s3], $0xF7A  }
0x26: {  	[smem:$0x3F9F] =	sst s1;
	(tag) =	ssettag s2;
	_ =	strace s9  }
0x27: {  	s1 =	sld [smem:$0x3FAF]  }
0x28: {  	s2 =	sld [smem:$0x3FB0]  }
0x29: {  	s4 =	sld [smem:$0x3FB2]  }
0x2a: {  	p0 =	seq.s32 s5, $0x0;
	s5 =	sld [smem:$0x3FB3]  }
0x2b: {  	s6 =	sld [smem:$0x3FB4]  }
0x2c: {  	s7 =	sld [smem:$0x3FB5]  }
0x2d: {  	s3 =	simm.s32 $0x108;
	s8 =	sld [smem:$0x3FB6]  }
0x2e: {  	s3 =	simm.s32 @!p0 $0x1082;
	s9 =	sld [smem:$0x3FB7]  }
0x2f: {  	lr =	sadd.s32 s0, s3;
	s0 =	sld [smem:$0x3FAE]  }
0x30: {  	s3 =	sld [smem:$0x3FB1]  }
0x31: {  	[smem:$0x3FBA] =	sst s10  }
0x32: {  	s10 =	sld [smem:$0x3FB8];
	_ =	sdelay $0x3  }
0x33: {  	p0 =	seq.s32 s10, $0x1;
	s10 =	sld [smem:$0x3FBA];
	_ =	sdelay $0x3  }
0x34: {  	[smem:$0x3FBA] =	sst s10  }
0x35: {  	s10 =	sld [smem:$0x3FB9];
	_ =	sdelay $0x3  }
0x36: {  	p1 =	seq.s32 s10, $0x1;
	s10 =	sld [smem:$0x3FBA];
	_ =	sdelay $0x3  }
0x37: {  	[smem:$0x3FBA] =	sst s10  }
0x38: {  	s10 =	sld [smem:$0x3FBB]  }
0x39: {  	_ = 	snop;
	(pc) =	sbr.ind lr, $3  }
0x3a: {  	_ = 	snop  }
0x3b: {  	_ = 	snop  }
0x3c: {  	p2 =	seq.s32 s10, $0x1;
	s10 =	sld [smem:$0x3FBA]  }
0x3d: {  	_ =	shalt  }
0x3e: {  	_ =	shalt  }
0x3f: {  	_ =	shalt  }
0x40: {  	_ =	shalt  }
0x41: {  	_ =	shalt  }
0x42: {  	_ =	shalt  }
0x43: {  	_ =	shalt  }
0x44: {  	_ =	shalt  }
0x45: {  	_ =	shalt  }
0x46: {  	_ =	shalt  }
0x47: {  	_ =	shalt  }
0x48: {  	_ =	shalt  }
0x49: {  	_ =	shalt  }
0x4a: {  	_ =	shalt  }
0x4b: {  	_ =	shalt  }
0x4c: {  	_ =	shalt  }
0x4d: {  	_ =	shalt  }
0x4e: {  	_ =	shalt  }
0x4f: {  	_ =	shalt  }
0x50: {  	_ =	shalt  }
0x51: {  	_ =	shalt  }
0x52: {  	_ =	shalt  }
0x53: {  	_ =	shalt  }
0x54: {  	_ =	shalt  }
0x55: {  	_ =	shalt  }
0x56: {  	_ =	shalt  }
0x57: {  	_ =	shalt  }
0x58: {  	_ =	shalt  }
0x59: {  	_ =	shalt  }
0x5a: {  	_ =	shalt  }
0x5b: {  	_ =	shalt  }
0x5c: {  	_ =	shalt  }
0x5d: {  	_ =	shalt  }
0x5e: {  	_ =	shalt  }
0x5f: {  	_ =	shalt  }
0x60: {  	_ =	shalt  }
0x61: {  	_ =	shalt  }
0x62: {  	_ =	shalt  }
0x63: {  	_ =	shalt  }
0x64: {  	_ =	shalt  }
0x65: {  	_ =	shalt  }
0x66: {  	_ =	shalt  }
0x67: {  	_ =	shalt  }
0x68: {  	_ =	shalt  }
0x69: {  	_ =	shalt  }
0x6a: {  	_ =	shalt  }
0x6b: {  	_ =	shalt  }
0x6c: {  	_ =	shalt  }
0x6d: {  	_ =	shalt  }
0x6e: {  	_ =	shalt  }
0x6f: {  	_ =	shalt  }
0x70: {  	_ =	shalt  }
0x71: {  	_ =	shalt  }
0x72: {  	_ =	shalt  }
0x73: {  	_ =	shalt  }
0x74: {  	_ =	shalt  }
0x75: {  	_ =	shalt  }
0x76: {  	_ =	shalt  }
0x77: {  	_ =	shalt  }
0x78: {  	_ =	shalt  }
0x79: {  	_ =	shalt  }
0x7a: {  	_ =	shalt  }
0x7b: {  	_ =	shalt  }
0x7c: {  	_ =	shalt  }
0x7d: {  	_ =	shalt  }
0x7e: {  	_ =	shalt  }
0x7f: {  	_ =	shalt  }
0x80: {  	_ =	shalt  }
0x81: {  	_ =	shalt  }
0x82: {  	_ =	shalt  }
0x83: {  	_ =	shalt  }
0x84: {  	_ =	shalt  }
0x85: {  	_ =	shalt  }
0x86: {  	_ =	shalt  }
0x87: {  	_ =	shalt  }
.Lfunc_end0:
.L_simem_size_0:
called_computation_lowered:
.L_overlay_start_0:
0x88: {  	s2 =	sld [smem:$0x3FD9]  }
0x89: {  	s3 =	sld [smem:$0x3FFE];
	_ =	sdelay $0x1  }
0x8a: {  	s1 =	srdreg.scid  }
0x8b: {  	s0 =	sand.u32 $0x1, s1  }
0x8c: {  	s16 =	sshll.u32 s0, $0xA;
	s2 =	sadd.s32 s3, s2  }
0x8d: {  	s2 =	sadd.s32 s2, s16  }
0x8e: {  	[smem:$0x3FC6] =	sst s2  }
0x8f: {  	_ = 	snop  }
0x90: {  	(tm) =	ssettm $0x1  }
0x91: {  	s17 =	sld [smem:$0x3FFB];
	_ =	sdelay $0x3  }
0x92: {  	_ =	strace s17  }
0x93: {  	s2 =	sld [smem:$0x3FFC];
	_ =	sdelay $0x3  }
0x94: {  	_ =	strace s2  }
0x95: {  	s2 =	sld [smem:$0x3FFD];
	_ =	sdelay $0x3  }
0x96: {  	_ =	strace s2  }
0x97: {  	_ =	strace $0x8FFFFFFF  }
0x98: {  	s18 =	sld [smem:$0x3FDB];
	_ =	sdelay $0x1  }
0x99: {  	s19 =	simm.s32 $_scs_section_size  }
0x9a: {  	s4 =	simm.s32 $_size__tile_overlayer_lowered;
	s5 =	simm.s32 $_tile_overlayer_lowered  }
0x9b: {  	s22 =	simm.s32 $0x1BFF;
	s21 =	sshll.u32 s5, $0x1;
	s2 =	sadd.s32 s19, s18  }
0x9c: {  	s6 =	simm.s32 $0x0;
	s20 =	sshll.u32 s4, $0x1;
	s4 =	sadd.s32 s21, s2  }
0x9d: {  	[timem:s6], [sflag:s22] =	dma.local [hbm:s4], s20  }
0x9e: {  	_ =	swait.ge [sflag:s22], s20  }
0x9f: {  	s3 =	ssub.s32 $0x0, s20;
	[sflag:s22] =	ssyncset.done $0x0  }
0xa0: {  	[sflag:s22] =	ssyncadd.s32 s3;
	_ =	sdelay $0x1  }
0xa1: {  	s23 =	simm.s32 $0x1B8B  }
0xa2: {  	_ =	swait.ge [sflag:s23], $0x1  }
0xa3: {  	[sflag:s23] =	ssyncset.done $0x0  }
0xa4: {  	s25 =	simm.s32 $0x1B8E;
	s24 =	sld [smem:$0x3FFE];
	[sflag:s23] =	ssyncadd.s32 $0xFFFFFFFF  }
0xa5: {  	s26 =	simm.s32 $execute0_lowered;
	[smem:$0x3FD2] =	sst s25  }
0xa6: {  	s4 =	sshll.u32 s26, $0x1;
	_ =	strace $0x80000046;
	[dreg:$0x1] =	wrdreg $0xFFFFFFFF  }
0xa7: {  	s28 =	simm.s32 $_size_execute0_lowered;
	s2 =	sadd.s32 s2, s4;
	[dreg:$0x0] =	wrdreg $0x0  }
0xa8: {  	s4 =	sshll.u32 s28, $0x1;
	[dreg:$0x2] =	wrdreg s2  }
0xa9: {  	[dreg:$0x3] =	wrdreg s4  }
0xaa: {  	[dreg:$0x4] =	wrdreg $0xC0  }
0xab: {  	_ =	task [dreg:s6], $0x5FFFF  }
0xac: {  	[dreg:$0x1] =	wrdreg $0xFFFFFFFF  }
0xad: {  	[dreg:$0x0] =	wrdreg $0x60  }
0xae: {  	[dreg:$0x2] =	wrdreg s24  }
0xaf: {  	[dreg:$0x3] =	wrdreg $0x9  }
0xb0: {  	_ =	task.clear_ibuf [dreg:s6], $0x4FFFF;
	_ =	strace $0x90000046  }
0xb1: {  	s29 =	simm.s32 $0x9;
	_ =	strace $0x80000048  }
0xb2: {  	_ =	swait.ge [sflag:s29], $0x1  }
0xb3: {  	[sflag:s29] =	ssyncadd.s32 $0xFFFFFFFF  }
0xb4: {  	_ =	strace $0x90000048  }
0xb5: {  	_ =	sfence  }
0xb6: {  	s30 =	sld [smem:$0x0];
	_ =	sdelay $0x2  }
0xb7: {  	s31 =	sshll.u32 s1, $0xD;
	s1 =	sshrl.u32 s1, $0x2  }
0xb8: {  	s3 =	sand.u32 $0x4000, s31;
	s1 =	sadd.s32 s1, s30  }
0xb9: {  	s0 =	sor.u32 s3, s0;
	s1 =	sshll.u32 s1, $0x11  }
0xba: {  	s0 =	sor.u32 s1, s0  }
0xbb: {  	s0 =	sadd.s32 $0x8F2B, s0  }
0xbc: {  	[sflag:s0] =	ssyncadd.remote.s32 $0x1  }
0xbd: {  	_ =	sfence.sel $0xFFFF  }
0xbe: {  	[dreg:$0x0] =	wrdreg $0xFFFFFFFF;
	(pc) =	sbr.abs _section_cstart, $3  }
0xbf: {  	[dreg:$0x1] =	wrdreg $0xFFFFFFFF  }
0xc0: {  	_ =	task.clear_ibuf [dreg:s6], $0x2FFFF;
	_ =	strace $0x9FFFFFFF  }
0xc1: {  	(tm) =	ssettm $0x7FFFFFFF  }
tec
execute0_lowered:
.L_overlay_start_1:
0x0: {  	(tag) =	ssettag $0x1  }
0x1: {  	s5 =	rddreg [dreg:$0x0]  }
0x2: {  	s0 =	rddreg [dreg:$0x1];
	s2 =	simm.s32 $0x0;
	s3 =	srdreg.scid  }
0x3: {  	s1 =	stileid.u32;
	s14 =	simm.s32 $0x100;
	s15 =	simm.s32 $0x180  }
0x4: {  	s16 =	simm.s32 $0x980;
	s17 =	simm.s32 $0x1180;
	s18 =	simm.s32 $0x1980  }
0x5: {  	s19 =	simm.s32 $0x2180;
	s20 =	simm.s32 $0x0;
	[smem:$0x7FF] =	sst s2  }
0x6: {  	s8 =	sadd.s32 $0x600, s5;
	s3 =	sand.u32 $0x1, s3;
	s4 =	sshll.u32 s1, $0x1  }
0x7: {  	s6 =	sshrl.u32 s1, $0x3;
	_ =	strace $0x80000047;
	s4 =	sor.u32 s3, s4  }
0x8: {  	s3 =	ssub.s32 $0x2, s3;
	s6 =	smul.u32 $0x1800, s6;
	s7 =	sshll.u32 s4, $0x8  }
0x9: {  	s9 =	sshrl.u32 s3, $0x1;
	s28 =	sshll.u32 s4, $0x7;
	s10 =	sadd.s32 s7, s5  }
0xa: {  	s11 =	ssub.s32 s3, s9;
	s3 =	sand.u32 $0x780, s28;
	s29 =	sadd.s32 $0x800, s6  }
0xb: {  	s30 =	sadd.s32 $0x1000, s6;
	s31 =	sor.u32 s6, s3;
	s12 =	sor.u32 s29, s3  }
0xc: {  	s3 =	sor.u32 s30, s3;
	s6 =	sshrl.u32 s6, $0x3;
	s7 =	sshrl.u32 s29, $0x3  }
0xd: {  	s9 =	sshrl.u32 s30, $0x3;
	s11 =	smax.u32 s11, $0x1;
	s4 =	sshrl.u32 s31, $0x3  }
0xe: {  	s12 =	sshrl.u32 s12, $0x3;
	s13 =	sshrl.u32 s3, $0x3;
	s6 =	sadd.s32 s8, s6  }
0xf: {  	s7 =	sadd.s32 s8, s7;
	s8 =	sadd.s32 s8, s9;
	s9 =	sadd.s32 $0xC00, s10  }
0x10: {  	s10 =	sadd.s32 $0x2C00, s10;
	s3 =	sadd.s32 s5, s4;
	s4 =	sadd.s32 s5, s12  }
0x11: {  	v0 =	vimm.f32 $3.000000010e+38;
	s5 =	sadd.s32 s5, s13;
	s12 =	simm.s32 $0x1;
	s13 =	simm.s32 $0x80  }
.LBB2_1:
0x12: {  	[tilespmem:s2], [sflag:$0x1] =	stream.linear.gather [hbm4b:s3+s2], $0x80, $0x38;
	[tilespmem:$0x2980] =	vst v63  }
0x13: {  	_ =	swait.ge [sflag:s12], $0x80  }
0x14: {  	[sflag:s12] =	ssyncset.done $0x0  }
0x15: {  	[sflag:s12] =	ssyncadd.s32 $0xFFFFFF80  }
0x16: {  	[tilespmem:s13], [sflag:$0x1] =	stream.linear.gather [hbm4b:s4+s2], $0x80, $0x38;
	[tilespmem:$0x2980] =	vst v63  }
0x17: {  	_ =	swait.ge [sflag:s12], $0x80  }
0x18: {  	[sflag:s12] =	ssyncset.done $0x0  }
0x19: {  	[sflag:s12] =	ssyncadd.s32 $0xFFFFFF80  }
0x1a: {  	[tilespmem:s14], [sflag:$0x1] =	stream.linear.gather [hbm4b:s5+s2], $0x80, $0x38;
	[tilespmem:$0x2980] =	vst v63  }
0x1b: {  	_ =	swait.ge [sflag:s12], $0x80  }
0x1c: {  	[sflag:s12] =	ssyncset.done $0x0  }
0x1d: {  	[sflag:s12] =	ssyncadd.s32 $0xFFFFFF80  }
0x1e: {  	[tilespmem:s15], [sflag:$0x1] =	stream.linear.gather [hbm4b:s6+s2], $0x800, $0x38;
	[tilespmem:$0x2980] =	vst v63  }
0x1f: {  	_ =	swait.ge [sflag:s12], $0x800  }
0x20: {  	[sflag:s12] =	ssyncset.done $0x0  }
0x21: {  	[sflag:s12] =	ssyncadd.s32 $0xFFFFF800  }
0x22: {  	[tilespmem:s16], [sflag:$0x1] =	stream.linear.gather [hbm4b:s7+s2], $0x800, $0x38;
	[tilespmem:$0x2980] =	vst v63  }
0x23: {  	_ =	swait.ge [sflag:s12], $0x800  }
0x24: {  	[sflag:s12] =	ssyncset.done $0x0  }
0x25: {  	[sflag:s12] =	ssyncadd.s32 $0xFFFFF800  }
0x26: {  	[tilespmem:s17], [sflag:$0x1] =	stream.linear.gather [hbm4b:s8+s2], $0x800, $0x38;
	[tilespmem:$0x2980] =	vst v63  }
0x27: {  	_ =	swait.ge [sflag:s12], $0x800  }
0x28: {  	[sflag:s12] =	ssyncset.done $0x0  }
0x29: {  	s21 =	simm.s32 $0x40;
	s22 =	simm.s32 $0x0;
	[sflag:s12] =	ssyncadd.s32 $0xFFFFF800  }
.LBB2_2:
0x2a: {  	p0 =	sne.s32 s21, $0x1FC0;
	[tilespmem:s22+$0x2180] =	vst v0;
	s22 =	smov.u32 s21;
	s21 =	sadd.s32 $0x40, s21  }
.Ltmp0:
0x2b: {  	(pc) =	sbr.rel @p0 .LBB2_2-.Ltmp0, $2  }
0x2c: {  	_ =	sdelay $0x2  }
0x2d: {  	s22 =	sshra.s32 s22, $0x2  }
0x2e: {  	[tilespmem:s22+$0x2180] =	vst v0;
	s21 =	simm.s32 $0x0  }
.LBB2_4:
0x2f: {  	s22 =	sshll.u32 s21, $0x4  }
0x30: {  	v2 =	vld [tilespmem:s22+$0x0]  }
0x31: {  	v1 =	vld [tilespmem:s22+$0x80]  }
0x32: {  	v3 =	vld [tilespmem:s22+$0x100];
	_ =	sdelay $0x3  }
0x33: {  	v17 =	vbroadcast v2, $0x0;
	v16 =	vbroadcast v1, $0x0  }
0x34: {  	v18 =	vbroadcast v3, $0x0;
	v15 =	vbroadcast v2, $0x1  }
0x35: {  	v9 =	vimm.f32 $3.000000010e+38;
	s22 =	simm.s32 $0x0;
	v14 =	vbroadcast v1, $0x1;
	v8 =	vbroadcast v3, $0x1  }
0x36: {  	v12 =	vimm.f32 $3.000000010e+38;
	v24 =	vld [tilespmem:s22+$0x1180];
	v19 =	vbroadcast v2, $0x2;
	v13 =	vbroadcast v1, $0x2  }
0x37: {  	v11 =	vimm.f32 $3.000000010e+38;
	v20 =	vbroadcast v3, $0x2;
	v23 =	vbroadcast v2, $0x3  }
0x38: {  	v10 =	vimm.f32 $3.000000010e+38;
	v41 =	vld [tilespmem:s22+$0x180];
	v21 =	vbroadcast v1, $0x3;
	v25 =	vbroadcast v3, $0x3  }
0x39: {  	v6 =	vimm.f32 $3.000000010e+38;
	v33 =	vld [tilespmem:s22+$0x980];
	v26 =	vbroadcast v3, $0x4;
	v27 =	vbroadcast v3, $0x6  }
0x3a: {  	v7 =	vimm.f32 $3.000000010e+38;
	v28 =	vbroadcast v3, $0x5;
	v29 =	vbroadcast v3, $0x7  }
0x3b: {  	v30 =	vbroadcast v2, $0x6;
	v31 =	vbroadcast v2, $0x7;
	v4 =	vsub.f32 v24, v27  }
0x3c: {  	v32 =	vbroadcast v1, $0x7;
	v5 =	vsub.f32 v24, v29;
	v43 =	vsub.f32 v24, v28  }
0x3d: {  	v34 =	vbroadcast v1, $0x6;
	v46 =	vsub.f32 v41, v31;
	v44 =	vsub.f32 v24, v26  }
0x3e: {  	v36 =	vbroadcast v2, $0x5;
	v47 =	vsub.f32 v33, v32;
	v45 =	vsub.f32 v41, v30  }
0x3f: {  	v37 =	vbroadcast v1, $0x5;
	v40 =	vsub.f32 v33, v34;
	v50 =	vsub.f32 v24, v25  }
0x40: {  	v39 =	vbroadcast v2, $0x4;
	v48 =	vsub.f32 v41, v36;
	v51 =	vsub.f32 v24, v20  }
0x41: {  	v22 =	vbroadcast v1, $0x4;
	v42 =	vsub.f32 v33, v37;
	v53 =	vsub.f32 v24, v18  }
0x42: {  	v52 =	vsub.f32 v41, v39;
	v49 =	vsub.f32 v41, v23;
	v38 =	vmul.f32 v4, v4  }
0x43: {  	s23 =	simm.s32 $0x40;
	v35 =	vmul.f32 v5, v5;
	v5 =	vimm.f32 $3.000000010e+38;
	v4 =	vimm.f32 $3.000000010e+38  }
.LBB2_5:
0x44: {  	p0 =	sne.s32 s23, $0x1FC0;
	v54 =	vsub.f32 v33, v21;
	v43 =	vmul.f32 v43, v43;
	v46 =	vmul.f32 v46, v46  }
0x45: {  	v55 =	vsub.f32 v41, v19;
	v44 =	vmul.f32 v44, v44;
	v47 =	vmul.f32 v47, v47  }
0x46: {  	v56 =	vsub.f32 v41, v17;
	v50 =	vmul.f32 v50, v50;
	v45 =	vmul.f32 v45, v45  }
0x47: {  	v57 =	vsub.f32 v33, v16;
	v51 =	vmul.f32 v51, v51;
	v48 =	vmul.f32 v48, v48  }
0x48: {  	v53 =	vmul.f32 v53, v53;
	v41 =	vsub.f32 v41, v15;
	v52 =	vmul.f32 v52, v52  }
0x49: {  	v58 =	vsub.f32 v33, v14;
	v49 =	vmul.f32 v49, v49;
	v54 =	vmul.f32 v54, v54  }
0x4a: {  	v59 =	vsub.f32 v33, v13;
	v56 =	vmul.f32 v56, v56;
	v57 =	vmul.f32 v57, v57  }
0x4b: {  	v24 =	vsub.f32 v24, v8;
	v41 =	vmul.f32 v41, v41;
	v58 =	vmul.f32 v58, v58  }
0x4c: {  	v33 =	vsub.f32 v33, v22;
	v55 =	vmul.f32 v55, v55;
	v59 =	vmul.f32 v59, v59  }
0x4d: {  	v24 =	vmul.f32 v24, v24;
	v56 =	vadd.f32 v57, v56;
	v41 =	vadd.f32 v58, v41  }
0x4e: {  	v33 =	vmul.f32 v33, v33;
	v55 =	vadd.f32 v59, v55;
	v49 =	vadd.f32 v54, v49  }
0x4f: {  	v53 =	vadd.f32 v53, v56;
	v54 =	vadd.f32 v24, v41;
	v41 =	vmul.f32 v42, v42  }
0x50: {  	s24 =	sshra.s32 s23, $0x2;
	v40 =	vmul.f32 v40, v40;
	v33 =	vadd.f32 v33, v52;
	v42 =	vadd.f32 v51, v55  }
0x51: {  	v49 =	vadd.f32 v50, v49;
	v51 =	vmin.f32 v53, v54;
	v48 =	vadd.f32 v41, v48;
	v24 =	vld [tilespmem:s24+$0x1180]  }
0x52: {  	v40 =	vadd.f32 v40, v45;
	v50 =	vmin.f32 v51, v42;
	v51 =	vadd.f32 v44, v33;
	v41 =	vld [tilespmem:s24+$0x180]  }
0x53: {  	v44 =	vmin.f32 v50, v49;
	v48 =	vadd.f32 v43, v48;
	v43 =	vadd.f32 v47, v46;
	v45 =	vld [tilespmem:s22+$0x2180]  }
0x54: {  	v38 =	vadd.f32 v38, v40;
	v9 =	vmin.f32 v9, v53;
	v44 =	vmin.f32 v44, v51;
	v33 =	vld [tilespmem:s24+$0x980]  }
0x55: {  	v12 =	vmin.f32 v12, v54;
	v40 =	vmin.f32 v44, v48;
	v35 =	vadd.f32 v35, v43  }
0x56: {  	v11 =	vmin.f32 v11, v42;
	v10 =	vmin.f32 v10, v49;
	v40 =	vmin.f32 v40, v38  }
0x57: {  	v40 =	vmin.f32 v40, v35;
	v54 =	vsub.f32 v24, v27;
	v55 =	vsub.f32 v24, v29  }
0x58: {  	v43 =	vsub.f32 v24, v28;
	v46 =	vsub.f32 v41, v31;
	v40 =	vmin.f32 v45, v40  }
0x59: {  	v6 =	vmin.f32 v6, v51;
	v44 =	vsub.f32 v24, v26;
	v47 =	vsub.f32 v33, v32;
	[tilespmem:s22+$0x2180] =	vst v40;
	s22 =	smov.u32 s24  }
.Ltmp1:
0x5a: {  	v7 =	vmin.f32 v7, v48;
	v45 =	vsub.f32 v41, v30;
	v40 =	vsub.f32 v33, v34;
	(pc) =	sbr.rel @p0 .LBB2_5-.Ltmp1, $4  }
0x5b: {  	v5 =	vmin.f32 v5, v38;
	v50 =	vsub.f32 v24, v25;
	v48 =	vsub.f32 v41, v36  }
0x5c: {  	v4 =	vmin.f32 v4, v35;
	v51 =	vsub.f32 v24, v20;
	v42 =	vsub.f32 v33, v37  }
0x5d: {  	v53 =	vsub.f32 v24, v18;
	v52 =	vsub.f32 v41, v39  }
0x5e: {  	s23 =	sadd.s32 $0x40, s23;
	v49 =	vsub.f32 v41, v23;
	v38 =	vmul.f32 v54, v54;
	v35 =	vmul.f32 v55, v55  }
0x5f: {  	v18 =	vsub.f32 v33, v21;
	v20 =	vmul.f32 v43, v43;
	v21 =	vmul.f32 v46, v46  }
0x60: {  	v19 =	vsub.f32 v41, v19;
	v23 =	vmul.f32 v44, v44;
	v25 =	vmul.f32 v47, v47  }
0x61: {  	v17 =	vsub.f32 v41, v17;
	v26 =	vmul.f32 v50, v50;
	v27 =	vmul.f32 v45, v45  }
0x62: {  	v16 =	vsub.f32 v33, v16;
	v28 =	vmul.f32 v51, v51;
	v29 =	vmul.f32 v48, v48  }
0x63: {  	v30 =	vmul.f32 v53, v53;
	v15 =	vsub.f32 v41, v15;
	v31 =	vmul.f32 v52, v52  }
0x64: {  	v14 =	vsub.f32 v33, v14;
	v32 =	vmul.f32 v49, v49;
	v18 =	vmul.f32 v18, v18  }
0x65: {  	v13 =	vsub.f32 v33, v13;
	v17 =	vmul.f32 v17, v17;
	v16 =	vmul.f32 v16, v16  }
0x66: {  	v8 =	vsub.f32 v24, v8;
	v15 =	vmul.f32 v15, v15;
	v14 =	vmul.f32 v14, v14  }
0x67: {  	v22 =	vsub.f32 v33, v22;
	v19 =	vmul.f32 v19, v19;
	v13 =	vmul.f32 v13, v13  }
0x68: {  	v8 =	vmul.f32 v8, v8;
	v16 =	vadd.f32 v16, v17;
	v14 =	vadd.f32 v14, v15  }
0x69: {  	v13 =	vadd.f32 v13, v19;
	v15 =	vadd.f32 v18, v32;
	v17 =	vmul.f32 v22, v22  }
0x6a: {  	v16 =	vadd.f32 v30, v16;
	v8 =	vadd.f32 v8, v14;
	v14 =	vmul.f32 v42, v42  }
0x6b: {  	v18 =	vmul.f32 v40, v40;
	v13 =	vadd.f32 v28, v13;
	v17 =	vadd.f32 v17, v31  }
0x6c: {  	v15 =	vadd.f32 v26, v15;
	v19 =	vmin.f32 v16, v8;
	v14 =	vadd.f32 v14, v29  }
0x6d: {  	v18 =	vadd.f32 v18, v27;
	v17 =	vadd.f32 v23, v17;
	v19 =	vmin.f32 v19, v13  }
0x6e: {  	v19 =	vmin.f32 v19, v15;
	v14 =	vadd.f32 v20, v14;
	v20 =	vadd.f32 v25, v21;
	v21 =	vld [tilespmem:s22+$0x2180]  }
0x6f: {  	v18 =	vadd.f32 v38, v18;
	v19 =	vmin.f32 v19, v17  }
0x70: {  	v19 =	vmin.f32 v19, v14;
	v20 =	vadd.f32 v35, v20  }
0x71: {  	v19 =	vmin.f32 v19, v18  }
0x72: {  	v19 =	vmin.f32 v19, v20  }
0x73: {  	s23 =	sshll.u32 s21, $0x8;
	v19 =	vmin.f32 v21, v19  }
0x74: {  	v9 =	vmin.f32 v9, v16;
	[tilespmem:s22+$0x2180] =	vst v19;
	s22 =	sand.u32 $0x3FFFFF00, s23  }
0x75: {  	v8 =	vmin.f32 v12, v8;
	[tilespmem:s22+$0x1980] =	vst v9  }
0x76: {  	v6 =	vmin.f32 v6, v17;
	[tilespmem:s22+$0x1990] =	vst v8  }
0x77: {  	v24 =	vbroadcast v3, $0xE;
	v7 =	vmin.f32 v7, v14;
	[tilespmem:s22+$0x19C0] =	vst v6  }
0x78: {  	v33 =	vbroadcast v2, $0xD;
	v34 =	vbroadcast v1, $0xD;
	v5 =	vmin.f32 v5, v18;
	[tilespmem:s22+$0x19D0] =	vst v7  }
0x79: {  	v36 =	vbroadcast v2, $0xC;
	v22 =	vbroadcast v3, $0xB;
	v4 =	vmin.f32 v4, v20;
	[tilespmem:s22+$0x19E0] =	vst v5  }
0x7a: {  	v26 =	vbroadcast v3, $0xF;
	v27 =	vbroadcast v2, $0xE;
	v9 =	vmin.f32 v11, v13;
	[tilespmem:s22+$0x19F0] =	vst v4  }
0x7b: {  	v28 =	vbroadcast v2, $0xF;
	v31 =	vbroadcast v1, $0xE;
	v8 =	vmin.f32 v10, v15;
	[tilespmem:s22+$0x19A0] =	vst v9  }
0x7c: {  	v12 =	vbroadcast v2, $0x9;
	v16 =	vbroadcast v2, $0xA;
	s23 =	simm.s32 $0x0;
	[tilespmem:s22+$0x19B0] =	vst v8  }
0x7d: {  	v23 =	vbroadcast v3, $0xC;
	v29 =	vbroadcast v1, $0xF;
	v21 =	vld [tilespmem:s23+$0x1180]  }
0x7e: {  	v25 =	vbroadcast v3, $0xD;
	v17 =	vbroadcast v3, $0xA  }
0x7f: {  	v14 =	vbroadcast v2, $0x8;
	v18 =	vbroadcast v1, $0xB;
	v38 =	vld [tilespmem:s23+$0x180]  }
0x80: {  	v20 =	vbroadcast v2, $0xB;
	v19 =	vbroadcast v1, $0xC;
	v30 =	vld [tilespmem:s23+$0x980]  }
0x81: {  	v2 =	vimm.f32 $3.000000010e+38;
	v11 =	vbroadcast v1, $0x8;
	v15 =	vbroadcast v3, $0x8  }
0x82: {  	v13 =	vbroadcast v1, $0x9;
	v4 =	vbroadcast v3, $0x9;
	v5 =	vsub.f32 v21, v24  }
0x83: {  	v3 =	vimm.f32 $3.000000010e+38;
	v6 =	vsub.f32 v21, v26;
	v40 =	vsub.f32 v21, v25  }
0x84: {  	v10 =	vimm.f32 $3.000000010e+38;
	v43 =	vsub.f32 v38, v28;
	v41 =	vsub.f32 v21, v23  }
0x85: {  	v7 =	vimm.f32 $3.000000010e+38;
	v44 =	vsub.f32 v30, v29;
	v42 =	vsub.f32 v38, v27  }
0x86: {  	v9 =	vbroadcast v1, $0xA;
	v37 =	vsub.f32 v30, v31;
	v47 =	vsub.f32 v21, v22  }
0x87: {  	v8 =	vimm.f32 $3.000000010e+38;
	v45 =	vsub.f32 v38, v33;
	v48 =	vsub.f32 v21, v17  }
0x88: {  	v1 =	vimm.f32 $3.000000010e+38;
	v39 =	vsub.f32 v30, v34;
	v50 =	vsub.f32 v21, v15  }
0x89: {  	v49 =	vsub.f32 v38, v36;
	v46 =	vsub.f32 v38, v20;
	v35 =	vmul.f32 v5, v5  }
0x8a: {  	s24 =	simm.s32 $0x40;
	v32 =	vmul.f32 v6, v6;
	v5 =	vimm.f32 $3.000000010e+38;
	v6 =	vimm.f32 $3.000000010e+38  }
.LBB2_7:
0x8b: {  	p0 =	sne.s32 s24, $0x1FC0;
	v51 =	vsub.f32 v30, v18;
	v40 =	vmul.f32 v40, v40;
	v43 =	vmul.f32 v43, v43  }
0x8c: {  	v52 =	vsub.f32 v38, v16;
	v41 =	vmul.f32 v41, v41;
	v44 =	vmul.f32 v44, v44  }
0x8d: {  	v53 =	vsub.f32 v38, v14;
	v47 =	vmul.f32 v47, v47;
	v42 =	vmul.f32 v42, v42  }
0x8e: {  	v54 =	vsub.f32 v30, v11;
	v48 =	vmul.f32 v48, v48;
	v45 =	vmul.f32 v45, v45  }
0x8f: {  	v50 =	vmul.f32 v50, v50;
	v38 =	vsub.f32 v38, v12;
	v49 =	vmul.f32 v49, v49  }
0x90: {  	v55 =	vsub.f32 v30, v13;
	v46 =	vmul.f32 v46, v46;
	v51 =	vmul.f32 v51, v51  }
0x91: {  	v56 =	vsub.f32 v30, v9;
	v53 =	vmul.f32 v53, v53;
	v54 =	vmul.f32 v54, v54  }
0x92: {  	v21 =	vsub.f32 v21, v4;
	v38 =	vmul.f32 v38, v38;
	v55 =	vmul.f32 v55, v55  }
0x93: {  	v30 =	vsub.f32 v30, v19;
	v52 =	vmul.f32 v52, v52;
	v56 =	vmul.f32 v56, v56  }
0x94: {  	v21 =	vmul.f32 v21, v21;
	v53 =	vadd.f32 v54, v53;
	v38 =	vadd.f32 v55, v38  }
0x95: {  	v30 =	vmul.f32 v30, v30;
	v52 =	vadd.f32 v56, v52;
	v46 =	vadd.f32 v51, v46  }
0x96: {  	v50 =	vadd.f32 v50, v53;
	v51 =	vadd.f32 v21, v38;
	v38 =	vmul.f32 v39, v39  }
0x97: {  	s25 =	sshra.s32 s24, $0x2;
	v37 =	vmul.f32 v37, v37;
	v30 =	vadd.f32 v30, v49;
	v39 =	vadd.f32 v48, v52  }
0x98: {  	v46 =	vadd.f32 v47, v46;
	v48 =	vmin.f32 v50, v51;
	v45 =	vadd.f32 v38, v45;
	v21 =	vld [tilespmem:s25+$0x1180]  }
0x99: {  	v37 =	vadd.f32 v37, v42;
	v47 =	vmin.f32 v48, v39;
	v48 =	vadd.f32 v41, v30;
	v38 =	vld [tilespmem:s25+$0x180]  }
0x9a: {  	v41 =	vmin.f32 v47, v46;
	v45 =	vadd.f32 v40, v45;
	v40 =	vadd.f32 v44, v43;
	v42 =	vld [tilespmem:s23+$0x2180]  }
0x9b: {  	v35 =	vadd.f32 v35, v37;
	v3 =	vmin.f32 v3, v50;
	v41 =	vmin.f32 v41, v48;
	v30 =	vld [tilespmem:s25+$0x980]  }
0x9c: {  	v10 =	vmin.f32 v10, v51;
	v37 =	vmin.f32 v41, v45;
	v32 =	vadd.f32 v32, v40  }
0x9d: {  	v8 =	vmin.f32 v8, v39;
	v7 =	vmin.f32 v7, v46;
	v37 =	vmin.f32 v37, v35  }
0x9e: {  	v37 =	vmin.f32 v37, v32;
	v51 =	vsub.f32 v21, v24;
	v52 =	vsub.f32 v21, v26  }
0x9f: {  	v40 =	vsub.f32 v21, v25;
	v43 =	vsub.f32 v38, v28;
	v37 =	vmin.f32 v42, v37  }
0xa0: {  	v5 =	vmin.f32 v5, v48;
	v41 =	vsub.f32 v21, v23;
	v44 =	vsub.f32 v30, v29;
	[tilespmem:s23+$0x2180] =	vst v37;
	s23 =	smov.u32 s25  }
.Ltmp2:
0xa1: {  	v6 =	vmin.f32 v6, v45;
	v42 =	vsub.f32 v38, v27;
	v37 =	vsub.f32 v30, v31;
	(pc) =	sbr.rel @p0 .LBB2_7-.Ltmp2, $4  }
0xa2: {  	v2 =	vmin.f32 v2, v35;
	v47 =	vsub.f32 v21, v22;
	v45 =	vsub.f32 v38, v33  }
0xa3: {  	v1 =	vmin.f32 v1, v32;
	v48 =	vsub.f32 v21, v17;
	v39 =	vsub.f32 v30, v34  }
0xa4: {  	v50 =	vsub.f32 v21, v15;
	v49 =	vsub.f32 v38, v36  }
0xa5: {  	s24 =	sadd.s32 $0x40, s24;
	v46 =	vsub.f32 v38, v20;
	v35 =	vmul.f32 v51, v51;
	v32 =	vmul.f32 v52, v52  }
0xa6: {  	v15 =	vsub.f32 v30, v18;
	v17 =	vmul.f32 v40, v40;
	v54 =	vmul.f32 v43, v43  }
0xa7: {  	v16 =	vsub.f32 v38, v16;
	v20 =	vmul.f32 v41, v41;
	v22 =	vmul.f32 v44, v44  }
0xa8: {  	v14 =	vsub.f32 v38, v14;
	v23 =	vmul.f32 v47, v47;
	v24 =	vmul.f32 v42, v42  }
0xa9: {  	v11 =	vsub.f32 v30, v11;
	v25 =	vmul.f32 v48, v48;
	v26 =	vmul.f32 v45, v45  }
0xaa: {  	v27 =	vmul.f32 v50, v50;
	v12 =	vsub.f32 v38, v12;
	v28 =	vmul.f32 v49, v49  }
0xab: {  	v13 =	vsub.f32 v30, v13;
	v29 =	vmul.f32 v46, v46;
	v15 =	vmul.f32 v15, v15  }
0xac: {  	v9 =	vsub.f32 v30, v9;
	v14 =	vmul.f32 v14, v14;
	v11 =	vmul.f32 v11, v11  }
0xad: {  	v4 =	vsub.f32 v21, v4;
	v12 =	vmul.f32 v12, v12;
	v13 =	vmul.f32 v13, v13  }
0xae: {  	v19 =	vsub.f32 v30, v19;
	v16 =	vmul.f32 v16, v16;
	v9 =	vmul.f32 v9, v9  }
0xaf: {  	v4 =	vmul.f32 v4, v4;
	v11 =	vadd.f32 v11, v14;
	v12 =	vadd.f32 v13, v12  }
0xb0: {  	v56 =	vmul.f32 v19, v19;
	v9 =	vadd.f32 v9, v16;
	v55 =	vadd.f32 v15, v29  }
0xb1: {  	v57 =	vmul.f32 v39, v39;
	v11 =	vadd.f32 v27, v11;
	v4 =	vadd.f32 v4, v12  }
0xb2: {  	v58 =	vmul.f32 v37, v37;
	v14 =	vadd.f32 v56, v28;
	v9 =	vadd.f32 v25, v9  }
0xb3: {  	v13 =	vadd.f32 v23, v55;
	v12 =	vadd.f32 v57, v26;
	v59 =	vmin.f32 v11, v4  }
0xb4: {  	v15 =	vadd.f32 v58, v24;
	v14 =	vadd.f32 v20, v14;
	v16 =	vmin.f32 v59, v9  }
0xb5: {  	v61 =	vld [tilespmem:s23+$0x2180];
	v60 =	vadd.f32 v22, v54;
	v12 =	vadd.f32 v17, v12;
	v16 =	vmin.f32 v16, v13  }
0xb6: {  	v15 =	vadd.f32 v35, v15;
	v16 =	vmin.f32 v16, v14  }
0xb7: {  	v17 =	vadd.f32 v32, v60;
	v16 =	vmin.f32 v16, v12  }
0xb8: {  	v16 =	vmin.f32 v16, v15  }
0xb9: {  	v16 =	vmin.f32 v16, v17  }
0xba: {  	v16 =	vmin.f32 v61, v16  }
0xbb: {  	v3 =	vmin.f32 v3, v11;
	[tilespmem:s23+$0x2180] =	vst v16  }
0xbc: {  	v4 =	vmin.f32 v10, v4;
	[tilespmem:s22+$0x1A00] =	vst v3  }
0xbd: {  	s21 =	sadd.s32 $0x1, s21;
	v62 =	vmin.f32 v7, v13;
	[tilespmem:s22+$0x1A10] =	vst v4  }
0xbe: {  	p0 =	sne.s32 s21, $0x8;
	v63 =	vmin.f32 v6, v12;
	[tilespmem:s22+$0x1A30] =	vst v62  }
.Ltmp3:
0xbf: {  	v2 =	vmin.f32 v2, v15;
	[tilespmem:s22+$0x1A50] =	vst v63;
	(pc) =	sbr.rel @p0 .LBB2_4-.Ltmp3, $4  }
0xc0: {  	v1 =	vmin.f32 v1, v17;
	[tilespmem:s22+$0x1A60] =	vst v2  }
0xc1: {  	v3 =	vmin.f32 v8, v9;
	[tilespmem:s22+$0x1A70] =	vst v1  }
0xc2: {  	[tilespmem:s22+$0x1A20] =	vst v3;
	v3 =	vmin.f32 v5, v14  }
0xc3: {  	[tilespmem:s22+$0x1A40] =	vst v3  }
0xc4: {  	[hbm4b:s9+s2] =	stream.linear.scatter [tilespmem:s18], [sflag:$0x1], $0x800, $0x38;
	[tilespmem:$0x2980] =	vst v63  }
0xc5: {  	s20 =	sadd.s32 $0x1, s20;
	_ =	swait.ge [sflag:s12], $0x800  }
0xc6: {  	p0 =	sne.s32 s20, s11;
	[sflag:s12] =	ssyncset.done $0x0  }
.Ltmp4:
0xc7: {  	[sflag:s12] =	ssyncadd.s32 $0xFFFFF800;
	(pc) =	sbr.rel @p0 .LBB2_1-.Ltmp4, $4  }
0xc8: {  	[hbm4b:s10+s2] =	stream.linear.scatter [tilespmem:s19], [sflag:$0x1], $0x800, $0x38;
	[tilespmem:$0x2980] =	vst v63  }
0xc9: {  	_ =	swait.ge [sflag:s12], $0x800  }
0xca: {  	[sflag:s12] =	ssyncset.done $0x0  }
0xcb: {  	[sflag:s12] =	ssyncadd.s32 $0xFFFFF800  }
0xcc: {  	_ =	sfence.sel $0x180000  }
0xcd: {  	[bflag:$0x0] =	sbarrier.arrive $0xFFFF  }
0xce: {  	p0 =	sne.s32 s1, $0x0;
	_ =	strace $0x90000047  }
0xcf: {  	s0 =	sadd.s32 @!p0 $0x100000, s0;
	[bflag:$0x2] =	sbarrier.arrive $0xFFFF  }
0xd0: {  	[sflag:s0] =	ssyncadd.tile.s32 @!p0 $0x1;
	_ =	shalt  }
.Lfunc_end2:
_tile_overlayer_lowered:
.L_overlay_start_2:
0xd1: {  	(tag) =	ssettag $0x2  }
0xd2: {  	s0 =	rddreg [dreg:$0x0];
	s2 =	stileid.u32  }
0xd3: {  	s1 =	rddreg [dreg:$0x1];
	p0 =	sne.s32 s2, $0x0  }
0xd4: {  	s3 =	rddreg [dreg:$0x2];
	[bflag:$0x3] =	sbarrier.arrive $0xFFFF;
	s2 =	simm.s32 @!p0 $0x1C01  }
0xd5: {  	[timem:s3], [sflag:s2] =	dma.local @!p0 [hbm:s0], s1  }
0xd6: {  	s0 =	simm.s32 @!p0 $0x1  }
0xd7: {  	_ =	swait.ge @!p0 [sflag:s0], s1  }
0xd8: {  	s1 =	ssub.s32 @!p0 $0x0, s1;
	[sflag:s0] =	ssyncset.done @!p0 $0x0  }
0xd9: {  	[sflag:s0] =	ssyncadd.s32 @!p0 s1  }
0xda: {  	[bflag:$0x3] =	sbarrier.arrive $0xFFFF  }
0xdb: {  	_ =	shalt  }

</sc_bundles>
